<compile_context>
chip_gen: v7x
topology: tpu7x:2x2x1
jax: 0.10.2.dev20260603
libtpu: 0.0.44.dev20260713+nightly
codegen_flags: <defaults>
</compile_context>

<pallas_src>
import functools

import jax
import jax.numpy as jnp
from jax import lax
from jax.experimental import pallas as pl
from jax.experimental.pallas import tpu as pltpu
from jax.experimental.pallas import tpu_sc as plsc

LANES = 16


@functools.lru_cache(maxsize=None)
def _make_gather_sum(seq, batch, vocab, dim):
    info = plsc.get_sparse_core_info()
    nc, ns = info.num_cores, info.num_subcores
    nw = nc * ns
    assert batch % nw == 0
    bpw = batch // nw
    vpr = dim // LANES
    assert bpw % 2 == 0
    assert seq % 8 == 0
    pieces = []
    off = 0
    while off < seq:
        n = min(128, seq - off)
        pieces.append((off, n))
        off += n

    mesh = plsc.VectorSubcoreMesh(core_axis_name="c", subcore_axis_name="s")

    @functools.partial(
        pl.kernel,
        mesh=mesh,
        out_type=jax.ShapeDtypeStruct((batch, dim), jnp.float32),
        scratch_types=[
            pltpu.VMEM((bpw, seq), jnp.int32),
            pltpu.VMEM((3, seq, dim), jnp.float32),
            pltpu.VMEM((bpw, dim), jnp.float32),
            pltpu.SemaphoreType.DMA,
            pltpu.SemaphoreType.DMA,
            pltpu.SemaphoreType.DMA,
        ],
    )
    def gather_sum(idxt_hbm, table_hbm, out_hbm, idx_v, rows_v, out_v,
                   sem0, sem1, sem2):
        wid = lax.axis_index("s") * nc + lax.axis_index("c")
        base = wid * bpw

        pltpu.sync_copy(idxt_hbm.at[pl.ds(base, bpw)], idx_v)

        sems = (sem0, sem1, sem2)

        def issue(lb, buf):
            for off, n in pieces:
                pltpu.async_copy(
                    table_hbm.at[idx_v.at[lb, pl.ds(off, n)]],
                    rows_v.at[buf, pl.ds(off, n)], sems[buf])

        def wait(buf):
            pltpu.make_async_copy(table_hbm.at[pl.ds(0, seq)],
                                  rows_v.at[buf], sems[buf]).wait()

        def accum(lb, buf):
            zero = jnp.zeros((LANES,), jnp.float32)

            def body(r, carry):
                return tuple(
                    carry[v] + rows_v[buf, r, pl.ds(v * LANES, LANES)]
                    for v in range(vpr))

            acc = lax.fori_loop(0, seq, body, (zero,) * vpr, unroll=4)
            for v in range(vpr):
                out_v[lb, pl.ds(v * LANES, LANES)] = acc[v]

        assert bpw % 3 == 2
        issue(0, 0)
        issue(1, 1)

        def bbody(i, carry):
            lb0 = 3 * i
            for b in range(3):
                issue(lb0 + b + 2, (b + 2) % 3)
                wait(b)
                accum(lb0 + b, b)
            return carry

        lax.fori_loop(0, bpw // 3, bbody, 0)
        wait(0)
        accum(bpw - 2, 0)
        wait(1)
        accum(bpw - 1, 1)

        pltpu.sync_copy(out_v, out_hbm.at[pl.ds(base, bpw)])

    return gather_sum


def _fc_body(x_ref, w_ref, b_ref, o_ref):
    o_ref[...] = lax.dot_general(
        x_ref[...], w_ref[...], (((1,), (1,)), ((), ())),
        preferred_element_type=jnp.float32) + b_ref[...]


@functools.lru_cache(maxsize=None)
def _make_fc(batch, dim, out_dim):
    blk = min(batch, 512)
    return pl.pallas_call(
        _fc_body,
        grid=(batch // blk,),
        in_specs=[
            pl.BlockSpec((blk, dim), lambda i: (i, 0)),
            pl.BlockSpec((out_dim, dim), lambda i: (0, 0)),
            pl.BlockSpec((1, out_dim), lambda i: (0, 0)),
        ],
        out_specs=pl.BlockSpec((blk, out_dim), lambda i: (i, 0)),
        out_shape=jax.ShapeDtypeStruct((batch, out_dim), jnp.float32),
    )


def kernel(text, embedding_table, fc_weight, fc_bias):
    seq, batch = text.shape
    vocab, dim = embedding_table.shape
    out_dim = fc_weight.shape[0]

    idxt = text.astype(jnp.int32).T
    summed = _make_gather_sum(seq, batch, vocab, dim)(idxt, embedding_table)
    fc = _make_fc(batch, dim, out_dim)
    return fc(summed, fc_weight, fc_bias.reshape(1, out_dim))

# --- scband reference (transcript-rebuilt; emitter-appended) ---
"""Pipeline reference for scband-bow-45217415692608 (READ-ONLY COPY).

The authoritative reference and input builder live on the scoring server;
editing this copy changes nothing except your own understanding.
"""

import jax, jax.numpy as jnp
import numpy as np

VOCAB = 100000
EMBED_DIM = 128
OUTPUT_DIM = 128
SEQ_LEN = 200
BATCH = 4096

def setup_inputs(seed: int = 0) -> dict:
    key = jax.random.key(seed)
    k1, k2, k3, k4 = jax.random.split(key, 4)
    text = jax.random.randint(k1, (SEQ_LEN, BATCH), 0, VOCAB, dtype=jnp.int64)
    # nn.Embedding default init: N(0, 1)
    embedding_table = jax.random.normal(k2, (VOCAB, EMBED_DIM), dtype=jnp.float32)
    # nn.Linear default init: U(-1/sqrt(fan_in), 1/sqrt(fan_in))
    bound = 1.0 / np.sqrt(EMBED_DIM)
    fc_weight = jax.random.uniform(k3, (OUTPUT_DIM, EMBED_DIM), dtype=jnp.float32, minval=-bound, maxval=bound)
    fc_bias = jax.random.uniform(k4, (OUTPUT_DIM,), dtype=jnp.float32, minval=-bound, maxval=bound)
    return {"text": text, "embedding_table": embedding_table, "fc_weight": fc_weight, "fc_bias": fc_bias}

def reference(text, embedding_table, fc_weight, fc_bias):
    # embedded = self.embedding(text)  -> [SEQ_LEN, BATCH, EMBED_DIM]
    embedded = jnp.take(embedding_table, text, axis=0)
    # embedded = embedded.sum(0)       -> [BATCH, EMBED_DIM]
    summed = embedded.sum(axis=0)
    # output = self.fc(embedded)       -> [BATCH, OUTPUT_DIM]
    output = summed @ fc_weight.T + fc_bias
    return output

if __name__ == "__main__":
    import jax
    _d = setup_inputs()
    print(jax.jit(kernel)(*tuple(_d.values())))

</pallas_src>

<mosaic_0001>
#map = affine_map<(d0, d1) -> (0, 0)>
module attributes {stable_mosaic.version = 14 : i64} {
  func.func @gather_sum(%arg0: i32, %arg1: i32, %arg2: memref<4096x200xi32, #tpu.memory_space<hbm>>, %arg3: memref<100000x128xf32, #tpu.memory_space<hbm>>, %arg4: memref<4096x128xf32, #tpu.memory_space<hbm>>, %arg5: memref<128x200xi32, #tpu.memory_space<vmem>>, %arg6: memref<3x200x128xf32, #tpu.memory_space<vmem>>, %arg7: memref<128x128xf32, #tpu.memory_space<vmem>>, %arg8: memref<!tpu.dma_semaphore, #tpu.memory_space<semaphore_mem>>, %arg9: memref<!tpu.dma_semaphore, #tpu.memory_space<semaphore_mem>>, %arg10: memref<!tpu.dma_semaphore, #tpu.memory_space<semaphore_mem>>) attributes {dimension_semantics = [#tpu.dimension_semantics<core_parallel>, #tpu.dimension_semantics<subcore_parallel>], iteration_bounds = array<i64: 2, 16>, scalar_prefetch = 0 : i64, scratch_operands = 6 : i64, tpu.core_type = #tpu.core_type<sc_vector_subcore>, window_params = [{transform_indices = #map}, {transform_indices = #map}, {transform_indices = #map}]} {
    %mul3A = arith.constant 2 : i32
    %mul3A_0 = arith.muli %arg1, %mul3A : i32
    %add3A = arith.addi %mul3A_0, %arg0 : i32
    %mul3A_1 = arith.constant 128 : i32
    %mul3A_2 = arith.muli %add3A, %mul3A_1 : i32
    "tpu.region"() ({
      %run_scoped3A = tpu.sem_alloc : memref<!tpu.dma_semaphore, #tpu.memory_space<semaphore_mem>>
      %dma_start3A_194 = arith.constant 0 : i32
      %dma_start3A_195 = tpu.memref_slice %arg2[%mul3A_2, %dma_start3A_194] : memref<4096x200xi32, #tpu.memory_space<hbm>> -> memref<128x200xi32, #tpu.memory_space<hbm>>
      %dma_start3A_196 = arith.constant 0 : i32
      %dma_start3A_197 = tpu.memref_slice %arg2[%mul3A_2, %dma_start3A_196] : memref<4096x200xi32, #tpu.memory_space<hbm>> -> memref<128x200xi32, #tpu.memory_space<hbm>>
      tpu.enqueue_dma source(%dma_start3A_197 : memref<128x200xi32, #tpu.memory_space<hbm>>) target(%arg5 : memref<128x200xi32, #tpu.memory_space<vmem>>) target_semaphore(%run_scoped3A : memref<!tpu.dma_semaphore, #tpu.memory_space<semaphore_mem>>)
      %dma_wait3A_198 = arith.constant 0 : i32
      %dma_wait3A_199 = tpu.memref_slice %arg2[%mul3A_2, %dma_wait3A_198] : memref<4096x200xi32, #tpu.memory_space<hbm>> -> memref<128x200xi32, #tpu.memory_space<hbm>>
      %dma_wait3A_200 = arith.constant 0 : i32
      %dma_wait3A_201 = tpu.memref_slice %arg2[%mul3A_2, %dma_wait3A_200] : memref<4096x200xi32, #tpu.memory_space<hbm>> -> memref<128x200xi32, #tpu.memory_space<hbm>>
      tpu.wait_dma2 semaphore(%run_scoped3A : memref<!tpu.dma_semaphore, #tpu.memory_space<semaphore_mem>>) src(%dma_wait3A_201 : memref<128x200xi32, #tpu.memory_space<hbm>>) dst(%arg5 : memref<128x200xi32, #tpu.memory_space<vmem>>)
      tpu.yield
    }) : () -> ()
    %dma_start3A = arith.constant 0 : i32
    %dma_start3A_3 = arith.constant 0 : i32
    %dma_start3A_4 = arith.constant 0 : i32
    %dma_start3A_5 = arith.constant 0 : i32
    %dma_start3A_6 = tpu.memref_slice %arg6[%dma_start3A_3, %dma_start3A_4, %dma_start3A_5] : memref<3x200x128xf32, #tpu.memory_space<vmem>> -> memref<1x128x128xf32, #tpu.memory_space<vmem>>
    %dma_start3A_7 = tpu.memref_squeeze %dma_start3A_6 : memref<1x128x128xf32, #tpu.memory_space<vmem>> -> memref<128x128xf32, #tpu.memory_space<vmem>>
    %dma_start3A_8 = arith.constant 0 : i32
    %dma_start3A_9 = tpu.memref_slice %arg5[%dma_start3A, %dma_start3A_8] : memref<128x200xi32, #tpu.memory_space<vmem>> -> memref<1x128xi32, #tpu.memory_space<vmem>>
    %dma_start3A_10 = tpu.memref_squeeze %dma_start3A_9 : memref<1x128xi32, #tpu.memory_space<vmem>> -> memref<128xi32, #tpu.memory_space<vmem>>
    %dma_start3A_11 = arith.constant 0 : i32
    %dma_start3A_12 = arith.constant 0 : i32
    %dma_start3A_13 = tpu.memref_slice %arg3[%dma_start3A_11, %dma_start3A_12] : memref<100000x128xf32, #tpu.memory_space<hbm>> -> memref<100000x128xf32, #tpu.memory_space<hbm>>
    tpu.enqueue_indirect_dma source(%dma_start3A_13 : memref<100000x128xf32, #tpu.memory_space<hbm>>) target(%dma_start3A_7 : memref<128x128xf32, #tpu.memory_space<vmem>>) offsets(%dma_start3A_10 : memref<128xi32, #tpu.memory_space<vmem>>) semaphore(%arg8 : memref<!tpu.dma_semaphore, #tpu.memory_space<semaphore_mem>>)
    %dma_start3A_14 = arith.constant 0 : i32
    %dma_start3A_15 = arith.constant 0 : i32
    %dma_start3A_16 = arith.constant 128 : i32
    %dma_start3A_17 = arith.constant 0 : i32
    %dma_start3A_18 = tpu.memref_slice %arg6[%dma_start3A_15, %dma_start3A_16, %dma_start3A_17] : memref<3x200x128xf32, #tpu.memory_space<vmem>> -> memref<1x72x128xf32, #tpu.memory_space<vmem>>
    %dma_start3A_19 = tpu.memref_squeeze %dma_start3A_18 : memref<1x72x128xf32, #tpu.memory_space<vmem>> -> memref<72x128xf32, #tpu.memory_space<vmem>>
    %dma_start3A_20 = arith.constant 128 : i32
    %dma_start3A_21 = tpu.memref_slice %arg5[%dma_start3A_14, %dma_start3A_20] : memref<128x200xi32, #tpu.memory_space<vmem>> -> memref<1x72xi32, #tpu.memory_space<vmem>>
    %dma_start3A_22 = tpu.memref_squeeze %dma_start3A_21 : memref<1x72xi32, #tpu.memory_space<vmem>> -> memref<72xi32, #tpu.memory_space<vmem>>
    %dma_start3A_23 = arith.constant 0 : i32
    %dma_start3A_24 = arith.constant 0 : i32
    %dma_start3A_25 = tpu.memref_slice %arg3[%dma_start3A_23, %dma_start3A_24] : memref<100000x128xf32, #tpu.memory_space<hbm>> -> memref<100000x128xf32, #tpu.memory_space<hbm>>
    tpu.enqueue_indirect_dma source(%dma_start3A_25 : memref<100000x128xf32, #tpu.memory_space<hbm>>) target(%dma_start3A_19 : memref<72x128xf32, #tpu.memory_space<vmem>>) offsets(%dma_start3A_22 : memref<72xi32, #tpu.memory_space<vmem>>) semaphore(%arg8 : memref<!tpu.dma_semaphore, #tpu.memory_space<semaphore_mem>>)
    %dma_start3A_26 = arith.constant 1 : i32
    %dma_start3A_27 = arith.constant 1 : i32
    %dma_start3A_28 = arith.constant 0 : i32
    %dma_start3A_29 = arith.constant 0 : i32
    %dma_start3A_30 = tpu.memref_slice %arg6[%dma_start3A_27, %dma_start3A_28, %dma_start3A_29] : memref<3x200x128xf32, #tpu.memory_space<vmem>> -> memref<1x128x128xf32, #tpu.memory_space<vmem>>
    %dma_start3A_31 = tpu.memref_squeeze %dma_start3A_30 : memref<1x128x128xf32, #tpu.memory_space<vmem>> -> memref<128x128xf32, #tpu.memory_space<vmem>>
    %dma_start3A_32 = arith.constant 0 : i32
    %dma_start3A_33 = tpu.memref_slice %arg5[%dma_start3A_26, %dma_start3A_32] : memref<128x200xi32, #tpu.memory_space<vmem>> -> memref<1x128xi32, #tpu.memory_space<vmem>>
    %dma_start3A_34 = tpu.memref_squeeze %dma_start3A_33 : memref<1x128xi32, #tpu.memory_space<vmem>> -> memref<128xi32, #tpu.memory_space<vmem>>
    %dma_start3A_35 = arith.constant 0 : i32
    %dma_start3A_36 = arith.constant 0 : i32
    %dma_start3A_37 = tpu.memref_slice %arg3[%dma_start3A_35, %dma_start3A_36] : memref<100000x128xf32, #tpu.memory_space<hbm>> -> memref<100000x128xf32, #tpu.memory_space<hbm>>
    tpu.enqueue_indirect_dma source(%dma_start3A_37 : memref<100000x128xf32, #tpu.memory_space<hbm>>) target(%dma_start3A_31 : memref<128x128xf32, #tpu.memory_space<vmem>>) offsets(%dma_start3A_34 : memref<128xi32, #tpu.memory_space<vmem>>) semaphore(%arg9 : memref<!tpu.dma_semaphore, #tpu.memory_space<semaphore_mem>>)
    %dma_start3A_38 = arith.constant 1 : i32
    %dma_start3A_39 = arith.constant 1 : i32
    %dma_start3A_40 = arith.constant 128 : i32
    %dma_start3A_41 = arith.constant 0 : i32
    %dma_start3A_42 = tpu.memref_slice %arg6[%dma_start3A_39, %dma_start3A_40, %dma_start3A_41] : memref<3x200x128xf32, #tpu.memory_space<vmem>> -> memref<1x72x128xf32, #tpu.memory_space<vmem>>
    %dma_start3A_43 = tpu.memref_squeeze %dma_start3A_42 : memref<1x72x128xf32, #tpu.memory_space<vmem>> -> memref<72x128xf32, #tpu.memory_space<vmem>>
    %dma_start3A_44 = arith.constant 128 : i32
    %dma_start3A_45 = tpu.memref_slice %arg5[%dma_start3A_38, %dma_start3A_44] : memref<128x200xi32, #tpu.memory_space<vmem>> -> memref<1x72xi32, #tpu.memory_space<vmem>>
    %dma_start3A_46 = tpu.memref_squeeze %dma_start3A_45 : memref<1x72xi32, #tpu.memory_space<vmem>> -> memref<72xi32, #tpu.memory_space<vmem>>
    %dma_start3A_47 = arith.constant 0 : i32
    %dma_start3A_48 = arith.constant 0 : i32
    %dma_start3A_49 = tpu.memref_slice %arg3[%dma_start3A_47, %dma_start3A_48] : memref<100000x128xf32, #tpu.memory_space<hbm>> -> memref<100000x128xf32, #tpu.memory_space<hbm>>
    tpu.enqueue_indirect_dma source(%dma_start3A_49 : memref<100000x128xf32, #tpu.memory_space<hbm>>) target(%dma_start3A_43 : memref<72x128xf32, #tpu.memory_space<vmem>>) offsets(%dma_start3A_46 : memref<72xi32, #tpu.memory_space<vmem>>) semaphore(%arg9 : memref<!tpu.dma_semaphore, #tpu.memory_space<semaphore_mem>>)
    %scan3A = arith.constant 0 : i32
    %scan3A_50 = arith.constant 0 : i32
    %scan3A_51 = arith.constant 42 : i32
    %scan3A_52 = arith.addi %scan3A_50, %scan3A_51 : i32
    %scan3A_53 = arith.constant 1 : i32
    scf.for %scan3A_194 = %scan3A_50 to %scan3A_52 step %scan3A_53  : i32 {
      %mul3A_195 = arith.constant 3 : i32
      %mul3A_196 = arith.muli %mul3A_195, %scan3A_194 : i32
      %add3A_197 = arith.constant 0 : i32
      %add3A_198 = arith.addi %mul3A_196, %add3A_197 : i32
      %add3A_199 = arith.constant 2 : i32
      %add3A_200 = arith.addi %add3A_198, %add3A_199 : i32
      %dma_start3A_201 = arith.constant 2 : i32
      %dma_start3A_202 = arith.constant 0 : i32
      %dma_start3A_203 = arith.constant 0 : i32
      %dma_start3A_204 = tpu.memref_slice %arg6[%dma_start3A_201, %dma_start3A_202, %dma_start3A_203] : memref<3x200x128xf32, #tpu.memory_space<vmem>> -> memref<1x128x128xf32, #tpu.memory_space<vmem>>
      %dma_start3A_205 = tpu.memref_squeeze %dma_start3A_204 : memref<1x128x128xf32, #tpu.memory_space<vmem>> -> memref<128x128xf32, #tpu.memory_space<vmem>>
      %dma_start3A_206 = arith.constant 0 : i32
      %dma_start3A_207 = tpu.memref_slice %arg5[%add3A_200, %dma_start3A_206] : memref<128x200xi32, #tpu.memory_space<vmem>> -> memref<1x128xi32, #tpu.memory_space<vmem>>
      %dma_start3A_208 = tpu.memref_squeeze %dma_start3A_207 : memref<1x128xi32, #tpu.memory_space<vmem>> -> memref<128xi32, #tpu.memory_space<vmem>>
      %dma_start3A_209 = arith.constant 0 : i32
      %dma_start3A_210 = arith.constant 0 : i32
      %dma_start3A_211 = tpu.memref_slice %arg3[%dma_start3A_209, %dma_start3A_210] : memref<100000x128xf32, #tpu.memory_space<hbm>> -> memref<100000x128xf32, #tpu.memory_space<hbm>>
      tpu.enqueue_indirect_dma source(%dma_start3A_211 : memref<100000x128xf32, #tpu.memory_space<hbm>>) target(%dma_start3A_205 : memref<128x128xf32, #tpu.memory_space<vmem>>) offsets(%dma_start3A_208 : memref<128xi32, #tpu.memory_space<vmem>>) semaphore(%arg10 : memref<!tpu.dma_semaphore, #tpu.memory_space<semaphore_mem>>)
      %dma_start3A_212 = arith.constant 2 : i32
      %dma_start3A_213 = arith.constant 128 : i32
      %dma_start3A_214 = arith.constant 0 : i32
      %dma_start3A_215 = tpu.memref_slice %arg6[%dma_start3A_212, %dma_start3A_213, %dma_start3A_214] : memref<3x200x128xf32, #tpu.memory_space<vmem>> -> memref<1x72x128xf32, #tpu.memory_space<vmem>>
      %dma_start3A_216 = tpu.memref_squeeze %dma_start3A_215 : memref<1x72x128xf32, #tpu.memory_space<vmem>> -> memref<72x128xf32, #tpu.memory_space<vmem>>
      %dma_start3A_217 = arith.constant 128 : i32
      %dma_start3A_218 = tpu.memref_slice %arg5[%add3A_200, %dma_start3A_217] : memref<128x200xi32, #tpu.memory_space<vmem>> -> memref<1x72xi32, #tpu.memory_space<vmem>>
      %dma_start3A_219 = tpu.memref_squeeze %dma_start3A_218 : memref<1x72xi32, #tpu.memory_space<vmem>> -> memref<72xi32, #tpu.memory_space<vmem>>
      %dma_start3A_220 = arith.constant 0 : i32
      %dma_start3A_221 = arith.constant 0 : i32
      %dma_start3A_222 = tpu.memref_slice %arg3[%dma_start3A_220, %dma_start3A_221] : memref<100000x128xf32, #tpu.memory_space<hbm>> -> memref<100000x128xf32, #tpu.memory_space<hbm>>
      tpu.enqueue_indirect_dma source(%dma_start3A_222 : memref<100000x128xf32, #tpu.memory_space<hbm>>) target(%dma_start3A_216 : memref<72x128xf32, #tpu.memory_space<vmem>>) offsets(%dma_start3A_219 : memref<72xi32, #tpu.memory_space<vmem>>) semaphore(%arg10 : memref<!tpu.dma_semaphore, #tpu.memory_space<semaphore_mem>>)
      %dma_wait3A_223 = arith.constant 0 : i32
      %dma_wait3A_224 = arith.constant 0 : i32
      %dma_wait3A_225 = arith.constant 0 : i32
      %dma_wait3A_226 = tpu.memref_slice %arg6[%dma_wait3A_223, %dma_wait3A_224, %dma_wait3A_225] : memref<3x200x128xf32, #tpu.memory_space<vmem>> -> memref<1x200x128xf32, #tpu.memory_space<vmem>>
      %dma_wait3A_227 = tpu.memref_squeeze %dma_wait3A_226 : memref<1x200x128xf32, #tpu.memory_space<vmem>> -> memref<200x128xf32, #tpu.memory_space<vmem>>
      %dma_wait3A_228 = arith.constant 0 : i32
      %dma_wait3A_229 = arith.constant 0 : i32
      %dma_wait3A_230 = tpu.memref_slice %arg3[%dma_wait3A_228, %dma_wait3A_229] : memref<100000x128xf32, #tpu.memory_space<hbm>> -> memref<200x128xf32, #tpu.memory_space<hbm>>
      %dma_wait3A_231 = arith.constant 0 : i32
      %dma_wait3A_232 = arith.constant 0 : i32
      %dma_wait3A_233 = tpu.memref_slice %arg6[%dma_wait3A_223, %dma_wait3A_231, %dma_wait3A_232] : memref<3x200x128xf32, #tpu.memory_space<vmem>> -> memref<1x200x128xf32, #tpu.memory_space<vmem>>
      %dma_wait3A_234 = tpu.memref_squeeze %dma_wait3A_233 : memref<1x200x128xf32, #tpu.memory_space<vmem>> -> memref<200x128xf32, #tpu.memory_space<vmem>>
      %dma_wait3A_235 = arith.constant 0 : i32
      %dma_wait3A_236 = arith.constant 0 : i32
      %dma_wait3A_237 = tpu.memref_slice %arg3[%dma_wait3A_235, %dma_wait3A_236] : memref<100000x128xf32, #tpu.memory_space<hbm>> -> memref<200x128xf32, #tpu.memory_space<hbm>>
      tpu.wait_dma2 semaphore(%arg8 : memref<!tpu.dma_semaphore, #tpu.memory_space<semaphore_mem>>) src(%dma_wait3A_237 : memref<200x128xf32, #tpu.memory_space<hbm>>) dst(%dma_wait3A_234 : memref<200x128xf32, #tpu.memory_space<vmem>>)
      %add3A_238 = arith.constant 0 : i32
      %add3A_239 = arith.addi %mul3A_196, %add3A_238 : i32
      %broadcast_in_dim3A_240 = arith.constant 0.000000e+00 : f32
      %broadcast_in_dim3A_241 = vector.broadcast %broadcast_in_dim3A_240 : f32 to vector<16xf32>
      %scan3A_242 = arith.constant 0 : i32
      %scan3A_243 = arith.constant 200 : i32
      %scan3A_244 = arith.addi %scan3A_242, %scan3A_243 : i32
      %scan3A_245 = arith.constant 4 : i32
      %scan3A_246:8 = scf.for %scan3A_470 = %scan3A_242 to %scan3A_244 step %scan3A_245 iter_args(%scan3A_471 = %broadcast_in_dim3A_241, %scan3A_472 = %broadcast_in_dim3A_241, %scan3A_473 = %broadcast_in_dim3A_241, %scan3A_474 = %broadcast_in_dim3A_241, %scan3A_475 = %broadcast_in_dim3A_241, %scan3A_476 = %broadcast_in_dim3A_241, %scan3A_477 = %broadcast_in_dim3A_241, %scan3A_478 = %broadcast_in_dim3A_241) -> (vector<16xf32>, vector<16xf32>, vector<16xf32>, vector<16xf32>, vector<16xf32>, vector<16xf32>, vector<16xf32>, vector<16xf32>)  : i32 {
        %get3A = arith.constant 0 : i32
        %get3A_479 = arith.index_cast %get3A : i32 to index
        %get3A_480 = arith.index_cast %scan3A_470 : i32 to index
        %get3A_481 = arith.constant 0 : index
        %get3A_482 = tpu.vector_load %arg6[%get3A_479, %get3A_480, %get3A_481] {strides = array<i32>} : memref<3x200x128xf32, #tpu.memory_space<vmem>>, vector<1x1x16xf32>,
        %get3A_483 = vector.shape_cast %get3A_482 : vector<1x1x16xf32> to vector<16xf32>
        %add3A_484 = arith.addf %scan3A_471, %get3A_483 : vector<16xf32>
        %get3A_485 = arith.constant 0 : i32
        %get3A_486 = arith.index_cast %get3A_485 : i32 to index
        %get3A_487 = arith.index_cast %scan3A_470 : i32 to index
        %get3A_488 = arith.constant 16 : index
        %get3A_489 = tpu.vector_load %arg6[%get3A_486, %get3A_487, %get3A_488] {strides = array<i32>} : memref<3x200x128xf32, #tpu.memory_space<vmem>>, vector<1x1x16xf32>,
        %get3A_490 = vector.shape_cast %get3A_489 : vector<1x1x16xf32> to vector<16xf32>
        %add3A_491 = arith.addf %scan3A_472, %get3A_490 : vector<16xf32>
        %get3A_492 = arith.constant 0 : i32
        %get3A_493 = arith.index_cast %get3A_492 : i32 to index
        %get3A_494 = arith.index_cast %scan3A_470 : i32 to index
        %get3A_495 = arith.constant 32 : index
        %get3A_496 = tpu.vector_load %arg6[%get3A_493, %get3A_494, %get3A_495] {strides = array<i32>} : memref<3x200x128xf32, #tpu.memory_space<vmem>>, vector<1x1x16xf32>,
        %get3A_497 = vector.shape_cast %get3A_496 : vector<1x1x16xf32> to vector<16xf32>
        %add3A_498 = arith.addf %scan3A_473, %get3A_497 : vector<16xf32>
        %get3A_499 = arith.constant 0 : i32
        %get3A_500 = arith.index_cast %get3A_499 : i32 to index
        %get3A_501 = arith.index_cast %scan3A_470 : i32 to index
        %get3A_502 = arith.constant 48 : index
        %get3A_503 = tpu.vector_load %arg6[%get3A_500, %get3A_501, %get3A_502] {strides = array<i32>} : memref<3x200x128xf32, #tpu.memory_space<vmem>>, vector<1x1x16xf32>,
        %get3A_504 = vector.shape_cast %get3A_503 : vector<1x1x16xf32> to vector<16xf32>
        %add3A_505 = arith.addf %scan3A_474, %get3A_504 : vector<16xf32>
        %get3A_506 = arith.constant 0 : i32
        %get3A_507 = arith.index_cast %get3A_506 : i32 to index
        %get3A_508 = arith.index_cast %scan3A_470 : i32 to index
        %get3A_509 = arith.constant 64 : index
        %get3A_510 = tpu.vector_load %arg6[%get3A_507, %get3A_508, %get3A_509] {strides = array<i32>} : memref<3x200x128xf32, #tpu.memory_space<vmem>>, vector<1x1x16xf32>,
        %get3A_511 = vector.shape_cast %get3A_510 : vector<1x1x16xf32> to vector<16xf32>
        %add3A_512 = arith.addf %scan3A_475, %get3A_511 : vector<16xf32>
        %get3A_513 = arith.constant 0 : i32
        %get3A_514 = arith.index_cast %get3A_513 : i32 to index
        %get3A_515 = arith.index_cast %scan3A_470 : i32 to index
        %get3A_516 = arith.constant 80 : index
        %get3A_517 = tpu.vector_load %arg6[%get3A_514, %get3A_515, %get3A_516] {strides = array<i32>} : memref<3x200x128xf32, #tpu.memory_space<vmem>>, vector<1x1x16xf32>,
        %get3A_518 = vector.shape_cast %get3A_517 : vector<1x1x16xf32> to vector<16xf32>
        %add3A_519 = arith.addf %scan3A_476, %get3A_518 : vector<16xf32>
        %get3A_520 = arith.constant 0 : i32
        %get3A_521 = arith.index_cast %get3A_520 : i32 to index
        %get3A_522 = arith.index_cast %scan3A_470 : i32 to index
        %get3A_523 = arith.constant 96 : index
        %get3A_524 = tpu.vector_load %arg6[%get3A_521, %get3A_522, %get3A_523] {strides = array<i32>} : memref<3x200x128xf32, #tpu.memory_space<vmem>>, vector<1x1x16xf32>,
        %get3A_525 = vector.shape_cast %get3A_524 : vector<1x1x16xf32> to vector<16xf32>
        %add3A_526 = arith.addf %scan3A_477, %get3A_525 : vector<16xf32>
        %get3A_527 = arith.constant 0 : i32
        %get3A_528 = arith.index_cast %get3A_527 : i32 to index
        %get3A_529 = arith.index_cast %scan3A_470 : i32 to index
        %get3A_530 = arith.constant 112 : index
        %get3A_531 = tpu.vector_load %arg6[%get3A_528, %get3A_529, %get3A_530] {strides = array<i32>} : memref<3x200x128xf32, #tpu.memory_space<vmem>>, vector<1x1x16xf32>,
        %get3A_532 = vector.shape_cast %get3A_531 : vector<1x1x16xf32> to vector<16xf32>
        %add3A_533 = arith.addf %scan3A_478, %get3A_532 : vector<16xf32>
        %scan3A_534 = arith.constant 1 : i32
        %scan3A_535 = arith.addi %scan3A_470, %scan3A_534 : i32
        %get3A_536 = arith.constant 0 : i32
        %get3A_537 = arith.index_cast %get3A_536 : i32 to index
        %get3A_538 = arith.index_cast %scan3A_535 : i32 to index
        %get3A_539 = arith.constant 0 : index
        %get3A_540 = tpu.vector_load %arg6[%get3A_537, %get3A_538, %get3A_539] {strides = array<i32>} : memref<3x200x128xf32, #tpu.memory_space<vmem>>, vector<1x1x16xf32>,
        %get3A_541 = vector.shape_cast %get3A_540 : vector<1x1x16xf32> to vector<16xf32>
        %add3A_542 = arith.addf %add3A_484, %get3A_541 : vector<16xf32>
        %get3A_543 = arith.constant 0 : i32
        %get3A_544 = arith.index_cast %get3A_543 : i32 to index
        %get3A_545 = arith.index_cast %scan3A_535 : i32 to index
        %get3A_546 = arith.constant 16 : index
        %get3A_547 = tpu.vector_load %arg6[%get3A_544, %get3A_545, %get3A_546] {strides = array<i32>} : memref<3x200x128xf32, #tpu.memory_space<vmem>>, vector<1x1x16xf32>,
        %get3A_548 = vector.shape_cast %get3A_547 : vector<1x1x16xf32> to vector<16xf32>
        %add3A_549 = arith.addf %add3A_491, %get3A_548 : vector<16xf32>
        %get3A_550 = arith.constant 0 : i32
        %get3A_551 = arith.index_cast %get3A_550 : i32 to index
        %get3A_552 = arith.index_cast %scan3A_535 : i32 to index
        %get3A_553 = arith.constant 32 : index
        %get3A_554 = tpu.vector_load %arg6[%get3A_551, %get3A_552, %get3A_553] {strides = array<i32>} : memref<3x200x128xf32, #tpu.memory_space<vmem>>, vector<1x1x16xf32>,
        %get3A_555 = vector.shape_cast %get3A_554 : vector<1x1x16xf32> to vector<16xf32>
        %add3A_556 = arith.addf %add3A_498, %get3A_555 : vector<16xf32>
        %get3A_557 = arith.constant 0 : i32
        %get3A_558 = arith.index_cast %get3A_557 : i32 to index
        %get3A_559 = arith.index_cast %scan3A_535 : i32 to index
        %get3A_560 = arith.constant 48 : index
        %get3A_561 = tpu.vector_load %arg6[%get3A_558, %get3A_559, %get3A_560] {strides = array<i32>} : memref<3x200x128xf32, #tpu.memory_space<vmem>>, vector<1x1x16xf32>,
        %get3A_562 = vector.shape_cast %get3A_561 : vector<1x1x16xf32> to vector<16xf32>
        %add3A_563 = arith.addf %add3A_505, %get3A_562 : vector<16xf32>
        %get3A_564 = arith.constant 0 : i32
        %get3A_565 = arith.index_cast %get3A_564 : i32 to index
        %get3A_566 = arith.index_cast %scan3A_535 : i32 to index
        %get3A_567 = arith.constant 64 : index
        %get3A_568 = tpu.vector_load %arg6[%get3A_565, %get3A_566, %get3A_567] {strides = array<i32>} : memref<3x200x128xf32, #tpu.memory_space<vmem>>, vector<1x1x16xf32>,
        %get3A_569 = vector.shape_cast %get3A_568 : vector<1x1x16xf32> to vector<16xf32>
        %add3A_570 = arith.addf %add3A_512, %get3A_569 : vector<16xf32>
        %get3A_571 = arith.constant 0 : i32
        %get3A_572 = arith.index_cast %get3A_571 : i32 to index
        %get3A_573 = arith.index_cast %scan3A_535 : i32 to index
        %get3A_574 = arith.constant 80 : index
        %get3A_575 = tpu.vector_load %arg6[%get3A_572, %get3A_573, %get3A_574] {strides = array<i32>} : memref<3x200x128xf32, #tpu.memory_space<vmem>>, vector<1x1x16xf32>,
        %get3A_576 = vector.shape_cast %get3A_575 : vector<1x1x16xf32> to vector<16xf32>
        %add3A_577 = arith.addf %add3A_519, %get3A_576 : vector<16xf32>
        %get3A_578 = arith.constant 0 : i32
        %get3A_579 = arith.index_cast %get3A_578 : i32 to index
        %get3A_580 = arith.index_cast %scan3A_535 : i32 to index
        %get3A_581 = arith.constant 96 : index
        %get3A_582 = tpu.vector_load %arg6[%get3A_579, %get3A_580, %get3A_581] {strides = array<i32>} : memref<3x200x128xf32, #tpu.memory_space<vmem>>, vector<1x1x16xf32>,
        %get3A_583 = vector.shape_cast %get3A_582 : vector<1x1x16xf32> to vector<16xf32>
        %add3A_584 = arith.addf %add3A_526, %get3A_583 : vector<16xf32>
        %get3A_585 = arith.constant 0 : i32
        %get3A_586 = arith.index_cast %get3A_585 : i32 to index
        %get3A_587 = arith.index_cast %scan3A_535 : i32 to index
        %get3A_588 = arith.constant 112 : index
        %get3A_589 = tpu.vector_load %arg6[%get3A_586, %get3A_587, %get3A_588] {strides = array<i32>} : memref<3x200x128xf32, #tpu.memory_space<vmem>>, vector<1x1x16xf32>,
        %get3A_590 = vector.shape_cast %get3A_589 : vector<1x1x16xf32> to vector<16xf32>
        %add3A_591 = arith.addf %add3A_533, %get3A_590 : vector<16xf32>
        %scan3A_592 = arith.constant 2 : i32
        %scan3A_593 = arith.addi %scan3A_470, %scan3A_592 : i32
        %get3A_594 = arith.constant 0 : i32
        %get3A_595 = arith.index_cast %get3A_594 : i32 to index
        %get3A_596 = arith.index_cast %scan3A_593 : i32 to index
        %get3A_597 = arith.constant 0 : index
        %get3A_598 = tpu.vector_load %arg6[%get3A_595, %get3A_596, %get3A_597] {strides = array<i32>} : memref<3x200x128xf32, #tpu.memory_space<vmem>>, vector<1x1x16xf32>,
        %get3A_599 = vector.shape_cast %get3A_598 : vector<1x1x16xf32> to vector<16xf32>
        %add3A_600 = arith.addf %add3A_542, %get3A_599 : vector<16xf32>
        %get3A_601 = arith.constant 0 : i32
        %get3A_602 = arith.index_cast %get3A_601 : i32 to index
        %get3A_603 = arith.index_cast %scan3A_593 : i32 to index
        %get3A_604 = arith.constant 16 : index
        %get3A_605 = tpu.vector_load %arg6[%get3A_602, %get3A_603, %get3A_604] {strides = array<i32>} : memref<3x200x128xf32, #tpu.memory_space<vmem>>, vector<1x1x16xf32>,
        %get3A_606 = vector.shape_cast %get3A_605 : vector<1x1x16xf32> to vector<16xf32>
        %add3A_607 = arith.addf %add3A_549, %get3A_606 : vector<16xf32>
        %get3A_608 = arith.constant 0 : i32
        %get3A_609 = arith.index_cast %get3A_608 : i32 to index
        %get3A_610 = arith.index_cast %scan3A_593 : i32 to index
        %get3A_611 = arith.constant 32 : index
        %get3A_612 = tpu.vector_load %arg6[%get3A_609, %get3A_610, %get3A_611] {strides = array<i32>} : memref<3x200x128xf32, #tpu.memory_space<vmem>>, vector<1x1x16xf32>,
        %get3A_613 = vector.shape_cast %get3A_612 : vector<1x1x16xf32> to vector<16xf32>
        %add3A_614 = arith.addf %add3A_556, %get3A_613 : vector<16xf32>
        %get3A_615 = arith.constant 0 : i32
        %get3A_616 = arith.index_cast %get3A_615 : i32 to index
        %get3A_617 = arith.index_cast %scan3A_593 : i32 to index
        %get3A_618 = arith.constant 48 : index
        %get3A_619 = tpu.vector_load %arg6[%get3A_616, %get3A_617, %get3A_618] {strides = array<i32>} : memref<3x200x128xf32, #tpu.memory_space<vmem>>, vector<1x1x16xf32>,
        %get3A_620 = vector.shape_cast %get3A_619 : vector<1x1x16xf32> to vector<16xf32>
        %add3A_621 = arith.addf %add3A_563, %get3A_620 : vector<16xf32>
        %get3A_622 = arith.constant 0 : i32
        %get3A_623 = arith.index_cast %get3A_622 : i32 to index
        %get3A_624 = arith.index_cast %scan3A_593 : i32 to index
        %get3A_625 = arith.constant 64 : index
        %get3A_626 = tpu.vector_load %arg6[%get3A_623, %get3A_624, %get3A_625] {strides = array<i32>} : memref<3x200x128xf32, #tpu.memory_space<vmem>>, vector<1x1x16xf32>,
        %get3A_627 = vector.shape_cast %get3A_626 : vector<1x1x16xf32> to vector<16xf32>
        %add3A_628 = arith.addf %add3A_570, %get3A_627 : vector<16xf32>
        %get3A_629 = arith.constant 0 : i32
        %get3A_630 = arith.index_cast %get3A_629 : i32 to index
        %get3A_631 = arith.index_cast %scan3A_593 : i32 to index
        %get3A_632 = arith.constant 80 : index
        %get3A_633 = tpu.vector_load %arg6[%get3A_630, %get3A_631, %get3A_632] {strides = array<i32>} : memref<3x200x128xf32, #tpu.memory_space<vmem>>, vector<1x1x16xf32>,
        %get3A_634 = vector.shape_cast %get3A_633 : vector<1x1x16xf32> to vector<16xf32>
        %add3A_635 = arith.addf %add3A_577, %get3A_634 : vector<16xf32>
        %get3A_636 = arith.constant 0 : i32
        %get3A_637 = arith.index_cast %get3A_636 : i32 to index
        %get3A_638 = arith.index_cast %scan3A_593 : i32 to index
        %get3A_639 = arith.constant 96 : index
        %get3A_640 = tpu.vector_load %arg6[%get3A_637, %get3A_638, %get3A_639] {strides = array<i32>} : memref<3x200x128xf32, #tpu.memory_space<vmem>>, vector<1x1x16xf32>,
        %get3A_641 = vector.shape_cast %get3A_640 : vector<1x1x16xf32> to vector<16xf32>
        %add3A_642 = arith.addf %add3A_584, %get3A_641 : vector<16xf32>
        %get3A_643 = arith.constant 0 : i32
        %get3A_644 = arith.index_cast %get3A_643 : i32 to index
        %get3A_645 = arith.index_cast %scan3A_593 : i32 to index
        %get3A_646 = arith.constant 112 : index
        %get3A_647 = tpu.vector_load %arg6[%get3A_644, %get3A_645, %get3A_646] {strides = array<i32>} : memref<3x200x128xf32, #tpu.memory_space<vmem>>, vector<1x1x16xf32>,
        %get3A_648 = vector.shape_cast %get3A_647 : vector<1x1x16xf32> to vector<16xf32>
        %add3A_649 = arith.addf %add3A_591, %get3A_648 : vector<16xf32>
        %scan3A_650 = arith.constant 3 : i32
        %scan3A_651 = arith.addi %scan3A_470, %scan3A_650 : i32
        %get3A_652 = arith.constant 0 : i32
        %get3A_653 = arith.index_cast %get3A_652 : i32 to index
        %get3A_654 = arith.index_cast %scan3A_651 : i32 to index
        %get3A_655 = arith.constant 0 : index
        %get3A_656 = tpu.vector_load %arg6[%get3A_653, %get3A_654, %get3A_655] {strides = array<i32>} : memref<3x200x128xf32, #tpu.memory_space<vmem>>, vector<1x1x16xf32>,
        %get3A_657 = vector.shape_cast %get3A_656 : vector<1x1x16xf32> to vector<16xf32>
        %add3A_658 = arith.addf %add3A_600, %get3A_657 : vector<16xf32>
        %get3A_659 = arith.constant 0 : i32
        %get3A_660 = arith.index_cast %get3A_659 : i32 to index
        %get3A_661 = arith.index_cast %scan3A_651 : i32 to index
        %get3A_662 = arith.constant 16 : index
        %get3A_663 = tpu.vector_load %arg6[%get3A_660, %get3A_661, %get3A_662] {strides = array<i32>} : memref<3x200x128xf32, #tpu.memory_space<vmem>>, vector<1x1x16xf32>,
        %get3A_664 = vector.shape_cast %get3A_663 : vector<1x1x16xf32> to vector<16xf32>
        %add3A_665 = arith.addf %add3A_607, %get3A_664 : vector<16xf32>
        %get3A_666 = arith.constant 0 : i32
        %get3A_667 = arith.index_cast %get3A_666 : i32 to index
        %get3A_668 = arith.index_cast %scan3A_651 : i32 to index
        %get3A_669 = arith.constant 32 : index
        %get3A_670 = tpu.vector_load %arg6[%get3A_667, %get3A_668, %get3A_669] {strides = array<i32>} : memref<3x200x128xf32, #tpu.memory_space<vmem>>, vector<1x1x16xf32>,
        %get3A_671 = vector.shape_cast %get3A_670 : vector<1x1x16xf32> to vector<16xf32>
        %add3A_672 = arith.addf %add3A_614, %get3A_671 : vector<16xf32>
        %get3A_673 = arith.constant 0 : i32
        %get3A_674 = arith.index_cast %get3A_673 : i32 to index
        %get3A_675 = arith.index_cast %scan3A_651 : i32 to index
        %get3A_676 = arith.constant 48 : index
        %get3A_677 = tpu.vector_load %arg6[%get3A_674, %get3A_675, %get3A_676] {strides = array<i32>} : memref<3x200x128xf32, #tpu.memory_space<vmem>>, vector<1x1x16xf32>,
        %get3A_678 = vector.shape_cast %get3A_677 : vector<1x1x16xf32> to vector<16xf32>
        %add3A_679 = arith.addf %add3A_621, %get3A_678 : vector<16xf32>
        %get3A_680 = arith.constant 0 : i32
        %get3A_681 = arith.index_cast %get3A_680 : i32 to index
        %get3A_682 = arith.index_cast %scan3A_651 : i32 to index
        %get3A_683 = arith.constant 64 : index
        %get3A_684 = tpu.vector_load %arg6[%get3A_681, %get3A_682, %get3A_683] {strides = array<i32>} : memref<3x200x128xf32, #tpu.memory_space<vmem>>, vector<1x1x16xf32>,
        %get3A_685 = vector.shape_cast %get3A_684 : vector<1x1x16xf32> to vector<16xf32>
        %add3A_686 = arith.addf %add3A_628, %get3A_685 : vector<16xf32>
        %get3A_687 = arith.constant 0 : i32
        %get3A_688 = arith.index_cast %get3A_687 : i32 to index
        %get3A_689 = arith.index_cast %scan3A_651 : i32 to index
        %get3A_690 = arith.constant 80 : index
        %get3A_691 = tpu.vector_load %arg6[%get3A_688, %get3A_689, %get3A_690] {strides = array<i32>} : memref<3x200x128xf32, #tpu.memory_space<vmem>>, vector<1x1x16xf32>,
        %get3A_692 = vector.shape_cast %get3A_691 : vector<1x1x16xf32> to vector<16xf32>
        %add3A_693 = arith.addf %add3A_635, %get3A_692 : vector<16xf32>
        %get3A_694 = arith.constant 0 : i32
        %get3A_695 = arith.index_cast %get3A_694 : i32 to index
        %get3A_696 = arith.index_cast %scan3A_651 : i32 to index
        %get3A_697 = arith.constant 96 : index
        %get3A_698 = tpu.vector_load %arg6[%get3A_695, %get3A_696, %get3A_697] {strides = array<i32>} : memref<3x200x128xf32, #tpu.memory_space<vmem>>, vector<1x1x16xf32>,
        %get3A_699 = vector.shape_cast %get3A_698 : vector<1x1x16xf32> to vector<16xf32>
        %add3A_700 = arith.addf %add3A_642, %get3A_699 : vector<16xf32>
        %get3A_701 = arith.constant 0 : i32
        %get3A_702 = arith.index_cast %get3A_701 : i32 to index
        %get3A_703 = arith.index_cast %scan3A_651 : i32 to index
        %get3A_704 = arith.constant 112 : index
        %get3A_705 = tpu.vector_load %arg6[%get3A_702, %get3A_703, %get3A_704] {strides = array<i32>} : memref<3x200x128xf32, #tpu.memory_space<vmem>>, vector<1x1x16xf32>,
        %get3A_706 = vector.shape_cast %get3A_705 : vector<1x1x16xf32> to vector<16xf32>
        %add3A_707 = arith.addf %add3A_649, %get3A_706 : vector<16xf32>
        scf.yield %add3A_658, %add3A_665, %add3A_672, %add3A_679, %add3A_686, %add3A_693, %add3A_700, %add3A_707 : vector<16xf32>, vector<16xf32>, vector<16xf32>, vector<16xf32>, vector<16xf32>, vector<16xf32>, vector<16xf32>, vector<16xf32>
      }
      %scan3A_247 = arith.constant 200 : i32
      %swap3A_248 = arith.index_cast %add3A_239 : i32 to index
      %swap3A_249 = arith.constant 0 : index
      %swap3A_250 = tpu.vector_load %arg7[%swap3A_248, %swap3A_249] {strides = array<i32>} : memref<128x128xf32, #tpu.memory_space<vmem>>, vector<1x16xf32>,
      %swap3A_251 = vector.shape_cast %swap3A_250 : vector<1x16xf32> to vector<16xf32>
      %swap3A_252 = vector.shape_cast %scan3A_246#0 : vector<16xf32> to vector<1x16xf32>
      tpu.vector_store %arg7[%swap3A_248, %swap3A_249], %swap3A_252 {strides = array<i32>} : memref<128x128xf32, #tpu.memory_space<vmem>>, vector<1x16xf32>,
      %swap3A_253 = arith.index_cast %add3A_239 : i32 to index
      %swap3A_254 = arith.constant 16 : index
      %swap3A_255 = tpu.vector_load %arg7[%swap3A_253, %swap3A_254] {strides = array<i32>} : memref<128x128xf32, #tpu.memory_space<vmem>>, vector<1x16xf32>,
      %swap3A_256 = vector.shape_cast %swap3A_255 : vector<1x16xf32> to vector<16xf32>
      %swap3A_257 = vector.shape_cast %scan3A_246#1 : vector<16xf32> to vector<1x16xf32>
      tpu.vector_store %arg7[%swap3A_253, %swap3A_254], %swap3A_257 {strides = array<i32>} : memref<128x128xf32, #tpu.memory_space<vmem>>, vector<1x16xf32>,
      %swap3A_258 = arith.index_cast %add3A_239 : i32 to index
      %swap3A_259 = arith.constant 32 : index
      %swap3A_260 = tpu.vector_load %arg7[%swap3A_258, %swap3A_259] {strides = array<i32>} : memref<128x128xf32, #tpu.memory_space<vmem>>, vector<1x16xf32>,
      %swap3A_261 = vector.shape_cast %swap3A_260 : vector<1x16xf32> to vector<16xf32>
      %swap3A_262 = vector.shape_cast %scan3A_246#2 : vector<16xf32> to vector<1x16xf32>
      tpu.vector_store %arg7[%swap3A_258, %swap3A_259], %swap3A_262 {strides = array<i32>} : memref<128x128xf32, #tpu.memory_space<vmem>>, vector<1x16xf32>,
      %swap3A_263 = arith.index_cast %add3A_239 : i32 to index
      %swap3A_264 = arith.constant 48 : index
      %swap3A_265 = tpu.vector_load %arg7[%swap3A_263, %swap3A_264] {strides = array<i32>} : memref<128x128xf32, #tpu.memory_space<vmem>>, vector<1x16xf32>,
      %swap3A_266 = vector.shape_cast %swap3A_265 : vector<1x16xf32> to vector<16xf32>
      %swap3A_267 = vector.shape_cast %scan3A_246#3 : vector<16xf32> to vector<1x16xf32>
      tpu.vector_store %arg7[%swap3A_263, %swap3A_264], %swap3A_267 {strides = array<i32>} : memref<128x128xf32, #tpu.memory_space<vmem>>, vector<1x16xf32>,
      %swap3A_268 = arith.index_cast %add3A_239 : i32 to index
      %swap3A_269 = arith.constant 64 : index
      %swap3A_270 = tpu.vector_load %arg7[%swap3A_268, %swap3A_269] {strides = array<i32>} : memref<128x128xf32, #tpu.memory_space<vmem>>, vector<1x16xf32>,
      %swap3A_271 = vector.shape_cast %swap3A_270 : vector<1x16xf32> to vector<16xf32>
      %swap3A_272 = vector.shape_cast %scan3A_246#4 : vector<16xf32> to vector<1x16xf32>
      tpu.vector_store %arg7[%swap3A_268, %swap3A_269], %swap3A_272 {strides = array<i32>} : memref<128x128xf32, #tpu.memory_space<vmem>>, vector<1x16xf32>,
      %swap3A_273 = arith.index_cast %add3A_239 : i32 to index
      %swap3A_274 = arith.constant 80 : index
      %swap3A_275 = tpu.vector_load %arg7[%swap3A_273, %swap3A_274] {strides = array<i32>} : memref<128x128xf32, #tpu.memory_space<vmem>>, vector<1x16xf32>,
      %swap3A_276 = vector.shape_cast %swap3A_275 : vector<1x16xf32> to vector<16xf32>
      %swap3A_277 = vector.shape_cast %scan3A_246#5 : vector<16xf32> to vector<1x16xf32>
      tpu.vector_store %arg7[%swap3A_273, %swap3A_274], %swap3A_277 {strides = array<i32>} : memref<128x128xf32, #tpu.memory_space<vmem>>, vector<1x16xf32>,
      %swap3A_278 = arith.index_cast %add3A_239 : i32 to index
      %swap3A_279 = arith.constant 96 : index
      %swap3A_280 = tpu.vector_load %arg7[%swap3A_278, %swap3A_279] {strides = array<i32>} : memref<128x128xf32, #tpu.memory_space<vmem>>, vector<1x16xf32>,
      %swap3A_281 = vector.shape_cast %swap3A_280 : vector<1x16xf32> to vector<16xf32>
      %swap3A_282 = vector.shape_cast %scan3A_246#6 : vector<16xf32> to vector<1x16xf32>
      tpu.vector_store %arg7[%swap3A_278, %swap3A_279], %swap3A_282 {strides = array<i32>} : memref<128x128xf32, #tpu.memory_space<vmem>>, vector<1x16xf32>,
      %swap3A_283 = arith.index_cast %add3A_239 : i32 to index
      %swap3A_284 = arith.constant 112 : index
      %swap3A_285 = tpu.vector_load %arg7[%swap3A_283, %swap3A_284] {strides = array<i32>} : memref<128x128xf32, #tpu.memory_space<vmem>>, vector<1x16xf32>,
      %swap3A_286 = vector.shape_cast %swap3A_285 : vector<1x16xf32> to vector<16xf32>
      %swap3A_287 = vector.shape_cast %scan3A_246#7 : vector<16xf32> to vector<1x16xf32>
      tpu.vector_store %arg7[%swap3A_283, %swap3A_284], %swap3A_287 {strides = array<i32>} : memref<128x128xf32, #tpu.memory_space<vmem>>, vector<1x16xf32>,
      %add3A_288 = arith.constant 1 : i32
      %add3A_289 = arith.addi %mul3A_196, %add3A_288 : i32
      %add3A_290 = arith.constant 2 : i32
      %add3A_291 = arith.addi %add3A_289, %add3A_290 : i32
      %dma_start3A_292 = arith.constant 0 : i32
      %dma_start3A_293 = arith.constant 0 : i32
      %dma_start3A_294 = arith.constant 0 : i32
      %dma_start3A_295 = tpu.memref_slice %arg6[%dma_start3A_292, %dma_start3A_293, %dma_start3A_294] : memref<3x200x128xf32, #tpu.memory_space<vmem>> -> memref<1x128x128xf32, #tpu.memory_space<vmem>>
      %dma_start3A_296 = tpu.memref_squeeze %dma_start3A_295 : memref<1x128x128xf32, #tpu.memory_space<vmem>> -> memref<128x128xf32, #tpu.memory_space<vmem>>
      %dma_start3A_297 = arith.constant 0 : i32
      %dma_start3A_298 = tpu.memref_slice %arg5[%add3A_291, %dma_start3A_297] : memref<128x200xi32, #tpu.memory_space<vmem>> -> memref<1x128xi32, #tpu.memory_space<vmem>>
      %dma_start3A_299 = tpu.memref_squeeze %dma_start3A_298 : memref<1x128xi32, #tpu.memory_space<vmem>> -> memref<128xi32, #tpu.memory_space<vmem>>
      %dma_start3A_300 = arith.constant 0 : i32
      %dma_start3A_301 = arith.constant 0 : i32
      %dma_start3A_302 = tpu.memref_slice %arg3[%dma_start3A_300, %dma_start3A_301] : memref<100000x128xf32, #tpu.memory_space<hbm>> -> memref<100000x128xf32, #tpu.memory_space<hbm>>
      tpu.enqueue_indirect_dma source(%dma_start3A_302 : memref<100000x128xf32, #tpu.memory_space<hbm>>) target(%dma_start3A_296 : memref<128x128xf32, #tpu.memory_space<vmem>>) offsets(%dma_start3A_299 : memref<128xi32, #tpu.memory_space<vmem>>) semaphore(%arg8 : memref<!tpu.dma_semaphore, #tpu.memory_space<semaphore_mem>>)
      %dma_start3A_303 = arith.constant 0 : i32
      %dma_start3A_304 = arith.constant 128 : i32
      %dma_start3A_305 = arith.constant 0 : i32
      %dma_start3A_306 = tpu.memref_slice %arg6[%dma_start3A_303, %dma_start3A_304, %dma_start3A_305] : memref<3x200x128xf32, #tpu.memory_space<vmem>> -> memref<1x72x128xf32, #tpu.memory_space<vmem>>
      %dma_start3A_307 = tpu.memref_squeeze %dma_start3A_306 : memref<1x72x128xf32, #tpu.memory_space<vmem>> -> memref<72x128xf32, #tpu.memory_space<vmem>>
      %dma_start3A_308 = arith.constant 128 : i32
      %dma_start3A_309 = tpu.memref_slice %arg5[%add3A_291, %dma_start3A_308] : memref<128x200xi32, #tpu.memory_space<vmem>> -> memref<1x72xi32, #tpu.memory_space<vmem>>
      %dma_start3A_310 = tpu.memref_squeeze %dma_start3A_309 : memref<1x72xi32, #tpu.memory_space<vmem>> -> memref<72xi32, #tpu.memory_space<vmem>>
      %dma_start3A_311 = arith.constant 0 : i32
      %dma_start3A_312 = arith.constant 0 : i32
      %dma_start3A_313 = tpu.memref_slice %arg3[%dma_start3A_311, %dma_start3A_312] : memref<100000x128xf32, #tpu.memory_space<hbm>> -> memref<100000x128xf32, #tpu.memory_space<hbm>>
      tpu.enqueue_indirect_dma source(%dma_start3A_313 : memref<100000x128xf32, #tpu.memory_space<hbm>>) target(%dma_start3A_307 : memref<72x128xf32, #tpu.memory_space<vmem>>) offsets(%dma_start3A_310 : memref<72xi32, #tpu.memory_space<vmem>>) semaphore(%arg8 : memref<!tpu.dma_semaphore, #tpu.memory_space<semaphore_mem>>)
      %dma_wait3A_314 = arith.constant 1 : i32
      %dma_wait3A_315 = arith.constant 0 : i32
      %dma_wait3A_316 = arith.constant 0 : i32
      %dma_wait3A_317 = tpu.memref_slice %arg6[%dma_wait3A_314, %dma_wait3A_315, %dma_wait3A_316] : memref<3x200x128xf32, #tpu.memory_space<vmem>> -> memref<1x200x128xf32, #tpu.memory_space<vmem>>
      %dma_wait3A_318 = tpu.memref_squeeze %dma_wait3A_317 : memref<1x200x128xf32, #tpu.memory_space<vmem>> -> memref<200x128xf32, #tpu.memory_space<vmem>>
      %dma_wait3A_319 = arith.constant 0 : i32
      %dma_wait3A_320 = arith.constant 0 : i32
      %dma_wait3A_321 = tpu.memref_slice %arg3[%dma_wait3A_319, %dma_wait3A_320] : memref<100000x128xf32, #tpu.memory_space<hbm>> -> memref<200x128xf32, #tpu.memory_space<hbm>>
      %dma_wait3A_322 = arith.constant 0 : i32
      %dma_wait3A_323 = arith.constant 0 : i32
      %dma_wait3A_324 = tpu.memref_slice %arg6[%dma_wait3A_314, %dma_wait3A_322, %dma_wait3A_323] : memref<3x200x128xf32, #tpu.memory_space<vmem>> -> memref<1x200x128xf32, #tpu.memory_space<vmem>>
      %dma_wait3A_325 = tpu.memref_squeeze %dma_wait3A_324 : memref<1x200x128xf32, #tpu.memory_space<vmem>> -> memref<200x128xf32, #tpu.memory_space<vmem>>
      %dma_wait3A_326 = arith.constant 0 : i32
      %dma_wait3A_327 = arith.constant 0 : i32
      %dma_wait3A_328 = tpu.memref_slice %arg3[%dma_wait3A_326, %dma_wait3A_327] : memref<100000x128xf32, #tpu.memory_space<hbm>> -> memref<200x128xf32, #tpu.memory_space<hbm>>
      tpu.wait_dma2 semaphore(%arg9 : memref<!tpu.dma_semaphore, #tpu.memory_space<semaphore_mem>>) src(%dma_wait3A_328 : memref<200x128xf32, #tpu.memory_space<hbm>>) dst(%dma_wait3A_325 : memref<200x128xf32, #tpu.memory_space<vmem>>)
      %add3A_329 = arith.constant 1 : i32
      %add3A_330 = arith.addi %mul3A_196, %add3A_329 : i32
      %broadcast_in_dim3A_331 = arith.constant 0.000000e+00 : f32
      %broadcast_in_dim3A_332 = vector.broadcast %broadcast_in_dim3A_331 : f32 to vector<16xf32>
      %scan3A_333 = arith.constant 0 : i32
      %scan3A_334 = arith.constant 200 : i32
      %scan3A_335 = arith.addi %scan3A_333, %scan3A_334 : i32
      %scan3A_336 = arith.constant 4 : i32
      %scan3A_337:8 = scf.for %scan3A_470 = %scan3A_333 to %scan3A_335 step %scan3A_336 iter_args(%scan3A_471 = %broadcast_in_dim3A_332, %scan3A_472 = %broadcast_in_dim3A_332, %scan3A_473 = %broadcast_in_dim3A_332, %scan3A_474 = %broadcast_in_dim3A_332, %scan3A_475 = %broadcast_in_dim3A_332, %scan3A_476 = %broadcast_in_dim3A_332, %scan3A_477 = %broadcast_in_dim3A_332, %scan3A_478 = %broadcast_in_dim3A_332) -> (vector<16xf32>, vector<16xf32>, vector<16xf32>, vector<16xf32>, vector<16xf32>, vector<16xf32>, vector<16xf32>, vector<16xf32>)  : i32 {
        %get3A = arith.constant 1 : i32
        %get3A_479 = arith.index_cast %get3A : i32 to index
        %get3A_480 = arith.index_cast %scan3A_470 : i32 to index
        %get3A_481 = arith.constant 0 : index
        %get3A_482 = tpu.vector_load %arg6[%get3A_479, %get3A_480, %get3A_481] {strides = array<i32>} : memref<3x200x128xf32, #tpu.memory_space<vmem>>, vector<1x1x16xf32>,
        %get3A_483 = vector.shape_cast %get3A_482 : vector<1x1x16xf32> to vector<16xf32>
        %add3A_484 = arith.addf %scan3A_471, %get3A_483 : vector<16xf32>
        %get3A_485 = arith.constant 1 : i32
        %get3A_486 = arith.index_cast %get3A_485 : i32 to index
        %get3A_487 = arith.index_cast %scan3A_470 : i32 to index
        %get3A_488 = arith.constant 16 : index
        %get3A_489 = tpu.vector_load %arg6[%get3A_486, %get3A_487, %get3A_488] {strides = array<i32>} : memref<3x200x128xf32, #tpu.memory_space<vmem>>, vector<1x1x16xf32>,
        %get3A_490 = vector.shape_cast %get3A_489 : vector<1x1x16xf32> to vector<16xf32>
        %add3A_491 = arith.addf %scan3A_472, %get3A_490 : vector<16xf32>
        %get3A_492 = arith.constant 1 : i32
        %get3A_493 = arith.index_cast %get3A_492 : i32 to index
        %get3A_494 = arith.index_cast %scan3A_470 : i32 to index
        %get3A_495 = arith.constant 32 : index
        %get3A_496 = tpu.vector_load %arg6[%get3A_493, %get3A_494, %get3A_495] {strides = array<i32>} : memref<3x200x128xf32, #tpu.memory_space<vmem>>, vector<1x1x16xf32>,
        %get3A_497 = vector.shape_cast %get3A_496 : vector<1x1x16xf32> to vector<16xf32>
        %add3A_498 = arith.addf %scan3A_473, %get3A_497 : vector<16xf32>
        %get3A_499 = arith.constant 1 : i32
        %get3A_500 = arith.index_cast %get3A_499 : i32 to index
        %get3A_501 = arith.index_cast %scan3A_470 : i32 to index
        %get3A_502 = arith.constant 48 : index
        %get3A_503 = tpu.vector_load %arg6[%get3A_500, %get3A_501, %get3A_502] {strides = array<i32>} : memref<3x200x128xf32, #tpu.memory_space<vmem>>, vector<1x1x16xf32>,
        %get3A_504 = vector.shape_cast %get3A_503 : vector<1x1x16xf32> to vector<16xf32>
        %add3A_505 = arith.addf %scan3A_474, %get3A_504 : vector<16xf32>
        %get3A_506 = arith.constant 1 : i32
        %get3A_507 = arith.index_cast %get3A_506 : i32 to index
        %get3A_508 = arith.index_cast %scan3A_470 : i32 to index
        %get3A_509 = arith.constant 64 : index
        %get3A_510 = tpu.vector_load %arg6[%get3A_507, %get3A_508, %get3A_509] {strides = array<i32>} : memref<3x200x128xf32, #tpu.memory_space<vmem>>, vector<1x1x16xf32>,
        %get3A_511 = vector.shape_cast %get3A_510 : vector<1x1x16xf32> to vector<16xf32>
        %add3A_512 = arith.addf %scan3A_475, %get3A_511 : vector<16xf32>
        %get3A_513 = arith.constant 1 : i32
        %get3A_514 = arith.index_cast %get3A_513 : i32 to index
        %get3A_515 = arith.index_cast %scan3A_470 : i32 to index
        %get3A_516 = arith.constant 80 : index
        %get3A_517 = tpu.vector_load %arg6[%get3A_514, %get3A_515, %get3A_516] {strides = array<i32>} : memref<3x200x128xf32, #tpu.memory_space<vmem>>, vector<1x1x16xf32>,
        %get3A_518 = vector.shape_cast %get3A_517 : vector<1x1x16xf32> to vector<16xf32>
        %add3A_519 = arith.addf %scan3A_476, %get3A_518 : vector<16xf32>
        %get3A_520 = arith.constant 1 : i32
        %get3A_521 = arith.index_cast %get3A_520 : i32 to index
        %get3A_522 = arith.index_cast %scan3A_470 : i32 to index
        %get3A_523 = arith.constant 96 : index
        %get3A_524 = tpu.vector_load %arg6[%get3A_521, %get3A_522, %get3A_523] {strides = array<i32>} : memref<3x200x128xf32, #tpu.memory_space<vmem>>, vector<1x1x16xf32>,
        %get3A_525 = vector.shape_cast %get3A_524 : vector<1x1x16xf32> to vector<16xf32>
        %add3A_526 = arith.addf %scan3A_477, %get3A_525 : vector<16xf32>
        %get3A_527 = arith.constant 1 : i32
        %get3A_528 = arith.index_cast %get3A_527 : i32 to index
        %get3A_529 = arith.index_cast %scan3A_470 : i32 to index
        %get3A_530 = arith.constant 112 : index
        %get3A_531 = tpu.vector_load %arg6[%get3A_528, %get3A_529, %get3A_530] {strides = array<i32>} : memref<3x200x128xf32, #tpu.memory_space<vmem>>, vector<1x1x16xf32>,
        %get3A_532 = vector.shape_cast %get3A_531 : vector<1x1x16xf32> to vector<16xf32>
        %add3A_533 = arith.addf %scan3A_478, %get3A_532 : vector<16xf32>
        %scan3A_534 = arith.constant 1 : i32
        %scan3A_535 = arith.addi %scan3A_470, %scan3A_534 : i32
        %get3A_536 = arith.constant 1 : i32
        %get3A_537 = arith.index_cast %get3A_536 : i32 to index
        %get3A_538 = arith.index_cast %scan3A_535 : i32 to index
        %get3A_539 = arith.constant 0 : index
        %get3A_540 = tpu.vector_load %arg6[%get3A_537, %get3A_538, %get3A_539] {strides = array<i32>} : memref<3x200x128xf32, #tpu.memory_space<vmem>>, vector<1x1x16xf32>,
        %get3A_541 = vector.shape_cast %get3A_540 : vector<1x1x16xf32> to vector<16xf32>
        %add3A_542 = arith.addf %add3A_484, %get3A_541 : vector<16xf32>
        %get3A_543 = arith.constant 1 : i32
        %get3A_544 = arith.index_cast %get3A_543 : i32 to index
        %get3A_545 = arith.index_cast %scan3A_535 : i32 to index
        %get3A_546 = arith.constant 16 : index
        %get3A_547 = tpu.vector_load %arg6[%get3A_544, %get3A_545, %get3A_546] {strides = array<i32>} : memref<3x200x128xf32, #tpu.memory_space<vmem>>, vector<1x1x16xf32>,
        %get3A_548 = vector.shape_cast %get3A_547 : vector<1x1x16xf32> to vector<16xf32>
        %add3A_549 = arith.addf %add3A_491, %get3A_548 : vector<16xf32>
        %get3A_550 = arith.constant 1 : i32
        %get3A_551 = arith.index_cast %get3A_550 : i32 to index
        %get3A_552 = arith.index_cast %scan3A_535 : i32 to index
        %get3A_553 = arith.constant 32 : index
        %get3A_554 = tpu.vector_load %arg6[%get3A_551, %get3A_552, %get3A_553] {strides = array<i32>} : memref<3x200x128xf32, #tpu.memory_space<vmem>>, vector<1x1x16xf32>,
        %get3A_555 = vector.shape_cast %get3A_554 : vector<1x1x16xf32> to vector<16xf32>
        %add3A_556 = arith.addf %add3A_498, %get3A_555 : vector<16xf32>
        %get3A_557 = arith.constant 1 : i32
        %get3A_558 = arith.index_cast %get3A_557 : i32 to index
        %get3A_559 = arith.index_cast %scan3A_535 : i32 to index
        %get3A_560 = arith.constant 48 : index
        %get3A_561 = tpu.vector_load %arg6[%get3A_558, %get3A_559, %get3A_560] {strides = array<i32>} : memref<3x200x128xf32, #tpu.memory_space<vmem>>, vector<1x1x16xf32>,
        %get3A_562 = vector.shape_cast %get3A_561 : vector<1x1x16xf32> to vector<16xf32>
        %add3A_563 = arith.addf %add3A_505, %get3A_562 : vector<16xf32>
        %get3A_564 = arith.constant 1 : i32
        %get3A_565 = arith.index_cast %get3A_564 : i32 to index
        %get3A_566 = arith.index_cast %scan3A_535 : i32 to index
        %get3A_567 = arith.constant 64 : index
        %get3A_568 = tpu.vector_load %arg6[%get3A_565, %get3A_566, %get3A_567] {strides = array<i32>} : memref<3x200x128xf32, #tpu.memory_space<vmem>>, vector<1x1x16xf32>,
        %get3A_569 = vector.shape_cast %get3A_568 : vector<1x1x16xf32> to vector<16xf32>
        %add3A_570 = arith.addf %add3A_512, %get3A_569 : vector<16xf32>
        %get3A_571 = arith.constant 1 : i32
        %get3A_572 = arith.index_cast %get3A_571 : i32 to index
        %get3A_573 = arith.index_cast %scan3A_535 : i32 to index
        %get3A_574 = arith.constant 80 : index
        %get3A_575 = tpu.vector_load %arg6[%get3A_572, %get3A_573, %get3A_574] {strides = array<i32>} : memref<3x200x128xf32, #tpu.memory_space<vmem>>, vector<1x1x16xf32>,
        %get3A_576 = vector.shape_cast %get3A_575 : vector<1x1x16xf32> to vector<16xf32>
        %add3A_577 = arith.addf %add3A_519, %get3A_576 : vector<16xf32>
        %get3A_578 = arith.constant 1 : i32
        %get3A_579 = arith.index_cast %get3A_578 : i32 to index
        %get3A_580 = arith.index_cast %scan3A_535 : i32 to index
        %get3A_581 = arith.constant 96 : index
        %get3A_582 = tpu.vector_load %arg6[%get3A_579, %get3A_580, %get3A_581] {strides = array<i32>} : memref<3x200x128xf32, #tpu.memory_space<vmem>>, vector<1x1x16xf32>,
        %get3A_583 = vector.shape_cast %get3A_582 : vector<1x1x16xf32> to vector<16xf32>
        %add3A_584 = arith.addf %add3A_526, %get3A_583 : vector<16xf32>
        %get3A_585 = arith.constant 1 : i32
        %get3A_586 = arith.index_cast %get3A_585 : i32 to index
        %get3A_587 = arith.index_cast %scan3A_535 : i32 to index
        %get3A_588 = arith.constant 112 : index
        %get3A_589 = tpu.vector_load %arg6[%get3A_586, %get3A_587, %get3A_588] {strides = array<i32>} : memref<3x200x128xf32, #tpu.memory_space<vmem>>, vector<1x1x16xf32>,
        %get3A_590 = vector.shape_cast %get3A_589 : vector<1x1x16xf32> to vector<16xf32>
        %add3A_591 = arith.addf %add3A_533, %get3A_590 : vector<16xf32>
        %scan3A_592 = arith.constant 2 : i32
        %scan3A_593 = arith.addi %scan3A_470, %scan3A_592 : i32
        %get3A_594 = arith.constant 1 : i32
        %get3A_595 = arith.index_cast %get3A_594 : i32 to index
        %get3A_596 = arith.index_cast %scan3A_593 : i32 to index
        %get3A_597 = arith.constant 0 : index
        %get3A_598 = tpu.vector_load %arg6[%get3A_595, %get3A_596, %get3A_597] {strides = array<i32>} : memref<3x200x128xf32, #tpu.memory_space<vmem>>, vector<1x1x16xf32>,
        %get3A_599 = vector.shape_cast %get3A_598 : vector<1x1x16xf32> to vector<16xf32>
        %add3A_600 = arith.addf %add3A_542, %get3A_599 : vector<16xf32>
        %get3A_601 = arith.constant 1 : i32
        %get3A_602 = arith.index_cast %get3A_601 : i32 to index
        %get3A_603 = arith.index_cast %scan3A_593 : i32 to index
        %get3A_604 = arith.constant 16 : index
        %get3A_605 = tpu.vector_load %arg6[%get3A_602, %get3A_603, %get3A_604] {strides = array<i32>} : memref<3x200x128xf32, #tpu.memory_space<vmem>>, vector<1x1x16xf32>,
        %get3A_606 = vector.shape_cast %get3A_605 : vector<1x1x16xf32> to vector<16xf32>
        %add3A_607 = arith.addf %add3A_549, %get3A_606 : vector<16xf32>
        %get3A_608 = arith.constant 1 : i32
        %get3A_609 = arith.index_cast %get3A_608 : i32 to index
        %get3A_610 = arith.index_cast %scan3A_593 : i32 to index
        %get3A_611 = arith.constant 32 : index
        %get3A_612 = tpu.vector_load %arg6[%get3A_609, %get3A_610, %get3A_611] {strides = array<i32>} : memref<3x200x128xf32, #tpu.memory_space<vmem>>, vector<1x1x16xf32>,
        %get3A_613 = vector.shape_cast %get3A_612 : vector<1x1x16xf32> to vector<16xf32>
        %add3A_614 = arith.addf %add3A_556, %get3A_613 : vector<16xf32>
        %get3A_615 = arith.constant 1 : i32
        %get3A_616 = arith.index_cast %get3A_615 : i32 to index
        %get3A_617 = arith.index_cast %scan3A_593 : i32 to index
        %get3A_618 = arith.constant 48 : index
        %get3A_619 = tpu.vector_load %arg6[%get3A_616, %get3A_617, %get3A_618] {strides = array<i32>} : memref<3x200x128xf32, #tpu.memory_space<vmem>>, vector<1x1x16xf32>,
        %get3A_620 = vector.shape_cast %get3A_619 : vector<1x1x16xf32> to vector<16xf32>
        %add3A_621 = arith.addf %add3A_563, %get3A_620 : vector<16xf32>
        %get3A_622 = arith.constant 1 : i32
        %get3A_623 = arith.index_cast %get3A_622 : i32 to index
        %get3A_624 = arith.index_cast %scan3A_593 : i32 to index
        %get3A_625 = arith.constant 64 : index
        %get3A_626 = tpu.vector_load %arg6[%get3A_623, %get3A_624, %get3A_625] {strides = array<i32>} : memref<3x200x128xf32, #tpu.memory_space<vmem>>, vector<1x1x16xf32>,
        %get3A_627 = vector.shape_cast %get3A_626 : vector<1x1x16xf32> to vector<16xf32>
        %add3A_628 = arith.addf %add3A_570, %get3A_627 : vector<16xf32>
        %get3A_629 = arith.constant 1 : i32
        %get3A_630 = arith.index_cast %get3A_629 : i32 to index
        %get3A_631 = arith.index_cast %scan3A_593 : i32 to index
        %get3A_632 = arith.constant 80 : index
        %get3A_633 = tpu.vector_load %arg6[%get3A_630, %get3A_631, %get3A_632] {strides = array<i32>} : memref<3x200x128xf32, #tpu.memory_space<vmem>>, vector<1x1x16xf32>,
        %get3A_634 = vector.shape_cast %get3A_633 : vector<1x1x16xf32> to vector<16xf32>
        %add3A_635 = arith.addf %add3A_577, %get3A_634 : vector<16xf32>
        %get3A_636 = arith.constant 1 : i32
        %get3A_637 = arith.index_cast %get3A_636 : i32 to index
        %get3A_638 = arith.index_cast %scan3A_593 : i32 to index
        %get3A_639 = arith.constant 96 : index
        %get3A_640 = tpu.vector_load %arg6[%get3A_637, %get3A_638, %get3A_639] {strides = array<i32>} : memref<3x200x128xf32, #tpu.memory_space<vmem>>, vector<1x1x16xf32>,
        %get3A_641 = vector.shape_cast %get3A_640 : vector<1x1x16xf32> to vector<16xf32>
        %add3A_642 = arith.addf %add3A_584, %get3A_641 : vector<16xf32>
        %get3A_643 = arith.constant 1 : i32
        %get3A_644 = arith.index_cast %get3A_643 : i32 to index
        %get3A_645 = arith.index_cast %scan3A_593 : i32 to index
        %get3A_646 = arith.constant 112 : index
        %get3A_647 = tpu.vector_load %arg6[%get3A_644, %get3A_645, %get3A_646] {strides = array<i32>} : memref<3x200x128xf32, #tpu.memory_space<vmem>>, vector<1x1x16xf32>,
        %get3A_648 = vector.shape_cast %get3A_647 : vector<1x1x16xf32> to vector<16xf32>
        %add3A_649 = arith.addf %add3A_591, %get3A_648 : vector<16xf32>
        %scan3A_650 = arith.constant 3 : i32
        %scan3A_651 = arith.addi %scan3A_470, %scan3A_650 : i32
        %get3A_652 = arith.constant 1 : i32
        %get3A_653 = arith.index_cast %get3A_652 : i32 to index
        %get3A_654 = arith.index_cast %scan3A_651 : i32 to index
        %get3A_655 = arith.constant 0 : index
        %get3A_656 = tpu.vector_load %arg6[%get3A_653, %get3A_654, %get3A_655] {strides = array<i32>} : memref<3x200x128xf32, #tpu.memory_space<vmem>>, vector<1x1x16xf32>,
        %get3A_657 = vector.shape_cast %get3A_656 : vector<1x1x16xf32> to vector<16xf32>
        %add3A_658 = arith.addf %add3A_600, %get3A_657 : vector<16xf32>
        %get3A_659 = arith.constant 1 : i32
        %get3A_660 = arith.index_cast %get3A_659 : i32 to index
        %get3A_661 = arith.index_cast %scan3A_651 : i32 to index
        %get3A_662 = arith.constant 16 : index
        %get3A_663 = tpu.vector_load %arg6[%get3A_660, %get3A_661, %get3A_662] {strides = array<i32>} : memref<3x200x128xf32, #tpu.memory_space<vmem>>, vector<1x1x16xf32>,
        %get3A_664 = vector.shape_cast %get3A_663 : vector<1x1x16xf32> to vector<16xf32>
        %add3A_665 = arith.addf %add3A_607, %get3A_664 : vector<16xf32>
        %get3A_666 = arith.constant 1 : i32
        %get3A_667 = arith.index_cast %get3A_666 : i32 to index
        %get3A_668 = arith.index_cast %scan3A_651 : i32 to index
        %get3A_669 = arith.constant 32 : index
        %get3A_670 = tpu.vector_load %arg6[%get3A_667, %get3A_668, %get3A_669] {strides = array<i32>} : memref<3x200x128xf32, #tpu.memory_space<vmem>>, vector<1x1x16xf32>,
        %get3A_671 = vector.shape_cast %get3A_670 : vector<1x1x16xf32> to vector<16xf32>
        %add3A_672 = arith.addf %add3A_614, %get3A_671 : vector<16xf32>
        %get3A_673 = arith.constant 1 : i32
        %get3A_674 = arith.index_cast %get3A_673 : i32 to index
        %get3A_675 = arith.index_cast %scan3A_651 : i32 to index
        %get3A_676 = arith.constant 48 : index
        %get3A_677 = tpu.vector_load %arg6[%get3A_674, %get3A_675, %get3A_676] {strides = array<i32>} : memref<3x200x128xf32, #tpu.memory_space<vmem>>, vector<1x1x16xf32>,
        %get3A_678 = vector.shape_cast %get3A_677 : vector<1x1x16xf32> to vector<16xf32>
        %add3A_679 = arith.addf %add3A_621, %get3A_678 : vector<16xf32>
        %get3A_680 = arith.constant 1 : i32
        %get3A_681 = arith.index_cast %get3A_680 : i32 to index
        %get3A_682 = arith.index_cast %scan3A_651 : i32 to index
        %get3A_683 = arith.constant 64 : index
        %get3A_684 = tpu.vector_load %arg6[%get3A_681, %get3A_682, %get3A_683] {strides = array<i32>} : memref<3x200x128xf32, #tpu.memory_space<vmem>>, vector<1x1x16xf32>,
        %get3A_685 = vector.shape_cast %get3A_684 : vector<1x1x16xf32> to vector<16xf32>
        %add3A_686 = arith.addf %add3A_628, %get3A_685 : vector<16xf32>
        %get3A_687 = arith.constant 1 : i32
        %get3A_688 = arith.index_cast %get3A_687 : i32 to index
        %get3A_689 = arith.index_cast %scan3A_651 : i32 to index
        %get3A_690 = arith.constant 80 : index
        %get3A_691 = tpu.vector_load %arg6[%get3A_688, %get3A_689, %get3A_690] {strides = array<i32>} : memref<3x200x128xf32, #tpu.memory_space<vmem>>, vector<1x1x16xf32>,
        %get3A_692 = vector.shape_cast %get3A_691 : vector<1x1x16xf32> to vector<16xf32>
        %add3A_693 = arith.addf %add3A_635, %get3A_692 : vector<16xf32>
        %get3A_694 = arith.constant 1 : i32
        %get3A_695 = arith.index_cast %get3A_694 : i32 to index
        %get3A_696 = arith.index_cast %scan3A_651 : i32 to index
        %get3A_697 = arith.constant 96 : index
        %get3A_698 = tpu.vector_load %arg6[%get3A_695, %get3A_696, %get3A_697] {strides = array<i32>} : memref<3x200x128xf32, #tpu.memory_space<vmem>>, vector<1x1x16xf32>,
        %get3A_699 = vector.shape_cast %get3A_698 : vector<1x1x16xf32> to vector<16xf32>
        %add3A_700 = arith.addf %add3A_642, %get3A_699 : vector<16xf32>
        %get3A_701 = arith.constant 1 : i32
        %get3A_702 = arith.index_cast %get3A_701 : i32 to index
        %get3A_703 = arith.index_cast %scan3A_651 : i32 to index
        %get3A_704 = arith.constant 112 : index
        %get3A_705 = tpu.vector_load %arg6[%get3A_702, %get3A_703, %get3A_704] {strides = array<i32>} : memref<3x200x128xf32, #tpu.memory_space<vmem>>, vector<1x1x16xf32>,
        %get3A_706 = vector.shape_cast %get3A_705 : vector<1x1x16xf32> to vector<16xf32>
        %add3A_707 = arith.addf %add3A_649, %get3A_706 : vector<16xf32>
        scf.yield %add3A_658, %add3A_665, %add3A_672, %add3A_679, %add3A_686, %add3A_693, %add3A_700, %add3A_707 : vector<16xf32>, vector<16xf32>, vector<16xf32>, vector<16xf32>, vector<16xf32>, vector<16xf32>, vector<16xf32>, vector<16xf32>
      }
      %scan3A_338 = arith.constant 200 : i32
      %swap3A_339 = arith.index_cast %add3A_330 : i32 to index
      %swap3A_340 = arith.constant 0 : index
      %swap3A_341 = tpu.vector_load %arg7[%swap3A_339, %swap3A_340] {strides = array<i32>} : memref<128x128xf32, #tpu.memory_space<vmem>>, vector<1x16xf32>,
      %swap3A_342 = vector.shape_cast %swap3A_341 : vector<1x16xf32> to vector<16xf32>
      %swap3A_343 = vector.shape_cast %scan3A_337#0 : vector<16xf32> to vector<1x16xf32>
      tpu.vector_store %arg7[%swap3A_339, %swap3A_340], %swap3A_343 {strides = array<i32>} : memref<128x128xf32, #tpu.memory_space<vmem>>, vector<1x16xf32>,
      %swap3A_344 = arith.index_cast %add3A_330 : i32 to index
      %swap3A_345 = arith.constant 16 : index
      %swap3A_346 = tpu.vector_load %arg7[%swap3A_344, %swap3A_345] {strides = array<i32>} : memref<128x128xf32, #tpu.memory_space<vmem>>, vector<1x16xf32>,
      %swap3A_347 = vector.shape_cast %swap3A_346 : vector<1x16xf32> to vector<16xf32>
      %swap3A_348 = vector.shape_cast %scan3A_337#1 : vector<16xf32> to vector<1x16xf32>
      tpu.vector_store %arg7[%swap3A_344, %swap3A_345], %swap3A_348 {strides = array<i32>} : memref<128x128xf32, #tpu.memory_space<vmem>>, vector<1x16xf32>,
      %swap3A_349 = arith.index_cast %add3A_330 : i32 to index
      %swap3A_350 = arith.constant 32 : index
      %swap3A_351 = tpu.vector_load %arg7[%swap3A_349, %swap3A_350] {strides = array<i32>} : memref<128x128xf32, #tpu.memory_space<vmem>>, vector<1x16xf32>,
      %swap3A_352 = vector.shape_cast %swap3A_351 : vector<1x16xf32> to vector<16xf32>
      %swap3A_353 = vector.shape_cast %scan3A_337#2 : vector<16xf32> to vector<1x16xf32>
      tpu.vector_store %arg7[%swap3A_349, %swap3A_350], %swap3A_353 {strides = array<i32>} : memref<128x128xf32, #tpu.memory_space<vmem>>, vector<1x16xf32>,
      %swap3A_354 = arith.index_cast %add3A_330 : i32 to index
      %swap3A_355 = arith.constant 48 : index
      %swap3A_356 = tpu.vector_load %arg7[%swap3A_354, %swap3A_355] {strides = array<i32>} : memref<128x128xf32, #tpu.memory_space<vmem>>, vector<1x16xf32>,
      %swap3A_357 = vector.shape_cast %swap3A_356 : vector<1x16xf32> to vector<16xf32>
      %swap3A_358 = vector.shape_cast %scan3A_337#3 : vector<16xf32> to vector<1x16xf32>
      tpu.vector_store %arg7[%swap3A_354, %swap3A_355], %swap3A_358 {strides = array<i32>} : memref<128x128xf32, #tpu.memory_space<vmem>>, vector<1x16xf32>,
      %swap3A_359 = arith.index_cast %add3A_330 : i32 to index
      %swap3A_360 = arith.constant 64 : index
      %swap3A_361 = tpu.vector_load %arg7[%swap3A_359, %swap3A_360] {strides = array<i32>} : memref<128x128xf32, #tpu.memory_space<vmem>>, vector<1x16xf32>,
      %swap3A_362 = vector.shape_cast %swap3A_361 : vector<1x16xf32> to vector<16xf32>
      %swap3A_363 = vector.shape_cast %scan3A_337#4 : vector<16xf32> to vector<1x16xf32>
      tpu.vector_store %arg7[%swap3A_359, %swap3A_360], %swap3A_363 {strides = array<i32>} : memref<128x128xf32, #tpu.memory_space<vmem>>, vector<1x16xf32>,
      %swap3A_364 = arith.index_cast %add3A_330 : i32 to index
      %swap3A_365 = arith.constant 80 : index
      %swap3A_366 = tpu.vector_load %arg7[%swap3A_364, %swap3A_365] {strides = array<i32>} : memref<128x128xf32, #tpu.memory_space<vmem>>, vector<1x16xf32>,
      %swap3A_367 = vector.shape_cast %swap3A_366 : vector<1x16xf32> to vector<16xf32>
      %swap3A_368 = vector.shape_cast %scan3A_337#5 : vector<16xf32> to vector<1x16xf32>
      tpu.vector_store %arg7[%swap3A_364, %swap3A_365], %swap3A_368 {strides = array<i32>} : memref<128x128xf32, #tpu.memory_space<vmem>>, vector<1x16xf32>,
      %swap3A_369 = arith.index_cast %add3A_330 : i32 to index
      %swap3A_370 = arith.constant 96 : index
      %swap3A_371 = tpu.vector_load %arg7[%swap3A_369, %swap3A_370] {strides = array<i32>} : memref<128x128xf32, #tpu.memory_space<vmem>>, vector<1x16xf32>,
      %swap3A_372 = vector.shape_cast %swap3A_371 : vector<1x16xf32> to vector<16xf32>
      %swap3A_373 = vector.shape_cast %scan3A_337#6 : vector<16xf32> to vector<1x16xf32>
      tpu.vector_store %arg7[%swap3A_369, %swap3A_370], %swap3A_373 {strides = array<i32>} : memref<128x128xf32, #tpu.memory_space<vmem>>, vector<1x16xf32>,
      %swap3A_374 = arith.index_cast %add3A_330 : i32 to index
      %swap3A_375 = arith.constant 112 : index
      %swap3A_376 = tpu.vector_load %arg7[%swap3A_374, %swap3A_375] {strides = array<i32>} : memref<128x128xf32, #tpu.memory_space<vmem>>, vector<1x16xf32>,
      %swap3A_377 = vector.shape_cast %swap3A_376 : vector<1x16xf32> to vector<16xf32>
      %swap3A_378 = vector.shape_cast %scan3A_337#7 : vector<16xf32> to vector<1x16xf32>
      tpu.vector_store %arg7[%swap3A_374, %swap3A_375], %swap3A_378 {strides = array<i32>} : memref<128x128xf32, #tpu.memory_space<vmem>>, vector<1x16xf32>,
      %add3A_379 = arith.constant 2 : i32
      %add3A_380 = arith.addi %mul3A_196, %add3A_379 : i32
      %add3A_381 = arith.constant 2 : i32
      %add3A_382 = arith.addi %add3A_380, %add3A_381 : i32
      %dma_start3A_383 = arith.constant 1 : i32
      %dma_start3A_384 = arith.constant 0 : i32
      %dma_start3A_385 = arith.constant 0 : i32
      %dma_start3A_386 = tpu.memref_slice %arg6[%dma_start3A_383, %dma_start3A_384, %dma_start3A_385] : memref<3x200x128xf32, #tpu.memory_space<vmem>> -> memref<1x128x128xf32, #tpu.memory_space<vmem>>
      %dma_start3A_387 = tpu.memref_squeeze %dma_start3A_386 : memref<1x128x128xf32, #tpu.memory_space<vmem>> -> memref<128x128xf32, #tpu.memory_space<vmem>>
      %dma_start3A_388 = arith.constant 0 : i32
      %dma_start3A_389 = tpu.memref_slice %arg5[%add3A_382, %dma_start3A_388] : memref<128x200xi32, #tpu.memory_space<vmem>> -> memref<1x128xi32, #tpu.memory_space<vmem>>
      %dma_start3A_390 = tpu.memref_squeeze %dma_start3A_389 : memref<1x128xi32, #tpu.memory_space<vmem>> -> memref<128xi32, #tpu.memory_space<vmem>>
      %dma_start3A_391 = arith.constant 0 : i32
      %dma_start3A_392 = arith.constant 0 : i32
      %dma_start3A_393 = tpu.memref_slice %arg3[%dma_start3A_391, %dma_start3A_392] : memref<100000x128xf32, #tpu.memory_space<hbm>> -> memref<100000x128xf32, #tpu.memory_space<hbm>>
      tpu.enqueue_indirect_dma source(%dma_start3A_393 : memref<100000x128xf32, #tpu.memory_space<hbm>>) target(%dma_start3A_387 : memref<128x128xf32, #tpu.memory_space<vmem>>) offsets(%dma_start3A_390 : memref<128xi32, #tpu.memory_space<vmem>>) semaphore(%arg9 : memref<!tpu.dma_semaphore, #tpu.memory_space<semaphore_mem>>)
      %dma_start3A_394 = arith.constant 1 : i32
      %dma_start3A_395 = arith.constant 128 : i32
      %dma_start3A_396 = arith.constant 0 : i32
      %dma_start3A_397 = tpu.memref_slice %arg6[%dma_start3A_394, %dma_start3A_395, %dma_start3A_396] : memref<3x200x128xf32, #tpu.memory_space<vmem>> -> memref<1x72x128xf32, #tpu.memory_space<vmem>>
      %dma_start3A_398 = tpu.memref_squeeze %dma_start3A_397 : memref<1x72x128xf32, #tpu.memory_space<vmem>> -> memref<72x128xf32, #tpu.memory_space<vmem>>
      %dma_start3A_399 = arith.constant 128 : i32
      %dma_start3A_400 = tpu.memref_slice %arg5[%add3A_382, %dma_start3A_399] : memref<128x200xi32, #tpu.memory_space<vmem>> -> memref<1x72xi32, #tpu.memory_space<vmem>>
      %dma_start3A_401 = tpu.memref_squeeze %dma_start3A_400 : memref<1x72xi32, #tpu.memory_space<vmem>> -> memref<72xi32, #tpu.memory_space<vmem>>
      %dma_start3A_402 = arith.constant 0 : i32
      %dma_start3A_403 = arith.constant 0 : i32
      %dma_start3A_404 = tpu.memref_slice %arg3[%dma_start3A_402, %dma_start3A_403] : memref<100000x128xf32, #tpu.memory_space<hbm>> -> memref<100000x128xf32, #tpu.memory_space<hbm>>
      tpu.enqueue_indirect_dma source(%dma_start3A_404 : memref<100000x128xf32, #tpu.memory_space<hbm>>) target(%dma_start3A_398 : memref<72x128xf32, #tpu.memory_space<vmem>>) offsets(%dma_start3A_401 : memref<72xi32, #tpu.memory_space<vmem>>) semaphore(%arg9 : memref<!tpu.dma_semaphore, #tpu.memory_space<semaphore_mem>>)
      %dma_wait3A_405 = arith.constant 2 : i32
      %dma_wait3A_406 = arith.constant 0 : i32
      %dma_wait3A_407 = arith.constant 0 : i32
      %dma_wait3A_408 = tpu.memref_slice %arg6[%dma_wait3A_405, %dma_wait3A_406, %dma_wait3A_407] : memref<3x200x128xf32, #tpu.memory_space<vmem>> -> memref<1x200x128xf32, #tpu.memory_space<vmem>>
      %dma_wait3A_409 = tpu.memref_squeeze %dma_wait3A_408 : memref<1x200x128xf32, #tpu.memory_space<vmem>> -> memref<200x128xf32, #tpu.memory_space<vmem>>
      %dma_wait3A_410 = arith.constant 0 : i32
      %dma_wait3A_411 = arith.constant 0 : i32
      %dma_wait3A_412 = tpu.memref_slice %arg3[%dma_wait3A_410, %dma_wait3A_411] : memref<100000x128xf32, #tpu.memory_space<hbm>> -> memref<200x128xf32, #tpu.memory_space<hbm>>
      %dma_wait3A_413 = arith.constant 0 : i32
      %dma_wait3A_414 = arith.constant 0 : i32
      %dma_wait3A_415 = tpu.memref_slice %arg6[%dma_wait3A_405, %dma_wait3A_413, %dma_wait3A_414] : memref<3x200x128xf32, #tpu.memory_space<vmem>> -> memref<1x200x128xf32, #tpu.memory_space<vmem>>
      %dma_wait3A_416 = tpu.memref_squeeze %dma_wait3A_415 : memref<1x200x128xf32, #tpu.memory_space<vmem>> -> memref<200x128xf32, #tpu.memory_space<vmem>>
      %dma_wait3A_417 = arith.constant 0 : i32
      %dma_wait3A_418 = arith.constant 0 : i32
      %dma_wait3A_419 = tpu.memref_slice %arg3[%dma_wait3A_417, %dma_wait3A_418] : memref<100000x128xf32, #tpu.memory_space<hbm>> -> memref<200x128xf32, #tpu.memory_space<hbm>>
      tpu.wait_dma2 semaphore(%arg10 : memref<!tpu.dma_semaphore, #tpu.memory_space<semaphore_mem>>) src(%dma_wait3A_419 : memref<200x128xf32, #tpu.memory_space<hbm>>) dst(%dma_wait3A_416 : memref<200x128xf32, #tpu.memory_space<vmem>>)
      %add3A_420 = arith.constant 2 : i32
      %add3A_421 = arith.addi %mul3A_196, %add3A_420 : i32
      %broadcast_in_dim3A_422 = arith.constant 0.000000e+00 : f32
      %broadcast_in_dim3A_423 = vector.broadcast %broadcast_in_dim3A_422 : f32 to vector<16xf32>
      %scan3A_424 = arith.constant 0 : i32
      %scan3A_425 = arith.constant 200 : i32
      %scan3A_426 = arith.addi %scan3A_424, %scan3A_425 : i32
      %scan3A_427 = arith.constant 4 : i32
      %scan3A_428:8 = scf.for %scan3A_470 = %scan3A_424 to %scan3A_426 step %scan3A_427 iter_args(%scan3A_471 = %broadcast_in_dim3A_423, %scan3A_472 = %broadcast_in_dim3A_423, %scan3A_473 = %broadcast_in_dim3A_423, %scan3A_474 = %broadcast_in_dim3A_423, %scan3A_475 = %broadcast_in_dim3A_423, %scan3A_476 = %broadcast_in_dim3A_423, %scan3A_477 = %broadcast_in_dim3A_423, %scan3A_478 = %broadcast_in_dim3A_423) -> (vector<16xf32>, vector<16xf32>, vector<16xf32>, vector<16xf32>, vector<16xf32>, vector<16xf32>, vector<16xf32>, vector<16xf32>)  : i32 {
        %get3A = arith.constant 2 : i32
        %get3A_479 = arith.index_cast %get3A : i32 to index
        %get3A_480 = arith.index_cast %scan3A_470 : i32 to index
        %get3A_481 = arith.constant 0 : index
        %get3A_482 = tpu.vector_load %arg6[%get3A_479, %get3A_480, %get3A_481] {strides = array<i32>} : memref<3x200x128xf32, #tpu.memory_space<vmem>>, vector<1x1x16xf32>,
        %get3A_483 = vector.shape_cast %get3A_482 : vector<1x1x16xf32> to vector<16xf32>
        %add3A_484 = arith.addf %scan3A_471, %get3A_483 : vector<16xf32>
        %get3A_485 = arith.constant 2 : i32
        %get3A_486 = arith.index_cast %get3A_485 : i32 to index
        %get3A_487 = arith.index_cast %scan3A_470 : i32 to index
        %get3A_488 = arith.constant 16 : index
        %get3A_489 = tpu.vector_load %arg6[%get3A_486, %get3A_487, %get3A_488] {strides = array<i32>} : memref<3x200x128xf32, #tpu.memory_space<vmem>>, vector<1x1x16xf32>,
        %get3A_490 = vector.shape_cast %get3A_489 : vector<1x1x16xf32> to vector<16xf32>
        %add3A_491 = arith.addf %scan3A_472, %get3A_490 : vector<16xf32>
        %get3A_492 = arith.constant 2 : i32
        %get3A_493 = arith.index_cast %get3A_492 : i32 to index
        %get3A_494 = arith.index_cast %scan3A_470 : i32 to index
        %get3A_495 = arith.constant 32 : index
        %get3A_496 = tpu.vector_load %arg6[%get3A_493, %get3A_494, %get3A_495] {strides = array<i32>} : memref<3x200x128xf32, #tpu.memory_space<vmem>>, vector<1x1x16xf32>,
        %get3A_497 = vector.shape_cast %get3A_496 : vector<1x1x16xf32> to vector<16xf32>
        %add3A_498 = arith.addf %scan3A_473, %get3A_497 : vector<16xf32>
        %get3A_499 = arith.constant 2 : i32
        %get3A_500 = arith.index_cast %get3A_499 : i32 to index
        %get3A_501 = arith.index_cast %scan3A_470 : i32 to index
        %get3A_502 = arith.constant 48 : index
        %get3A_503 = tpu.vector_load %arg6[%get3A_500, %get3A_501, %get3A_502] {strides = array<i32>} : memref<3x200x128xf32, #tpu.memory_space<vmem>>, vector<1x1x16xf32>,
        %get3A_504 = vector.shape_cast %get3A_503 : vector<1x1x16xf32> to vector<16xf32>
        %add3A_505 = arith.addf %scan3A_474, %get3A_504 : vector<16xf32>
        %get3A_506 = arith.constant 2 : i32
        %get3A_507 = arith.index_cast %get3A_506 : i32 to index
        %get3A_508 = arith.index_cast %scan3A_470 : i32 to index
        %get3A_509 = arith.constant 64 : index
        %get3A_510 = tpu.vector_load %arg6[%get3A_507, %get3A_508, %get3A_509] {strides = array<i32>} : memref<3x200x128xf32, #tpu.memory_space<vmem>>, vector<1x1x16xf32>,
        %get3A_511 = vector.shape_cast %get3A_510 : vector<1x1x16xf32> to vector<16xf32>
        %add3A_512 = arith.addf %scan3A_475, %get3A_511 : vector<16xf32>
        %get3A_513 = arith.constant 2 : i32
        %get3A_514 = arith.index_cast %get3A_513 : i32 to index
        %get3A_515 = arith.index_cast %scan3A_470 : i32 to index
        %get3A_516 = arith.constant 80 : index
        %get3A_517 = tpu.vector_load %arg6[%get3A_514, %get3A_515, %get3A_516] {strides = array<i32>} : memref<3x200x128xf32, #tpu.memory_space<vmem>>, vector<1x1x16xf32>,
        %get3A_518 = vector.shape_cast %get3A_517 : vector<1x1x16xf32> to vector<16xf32>
        %add3A_519 = arith.addf %scan3A_476, %get3A_518 : vector<16xf32>
        %get3A_520 = arith.constant 2 : i32
        %get3A_521 = arith.index_cast %get3A_520 : i32 to index
        %get3A_522 = arith.index_cast %scan3A_470 : i32 to index
        %get3A_523 = arith.constant 96 : index
        %get3A_524 = tpu.vector_load %arg6[%get3A_521, %get3A_522, %get3A_523] {strides = array<i32>} : memref<3x200x128xf32, #tpu.memory_space<vmem>>, vector<1x1x16xf32>,
        %get3A_525 = vector.shape_cast %get3A_524 : vector<1x1x16xf32> to vector<16xf32>
        %add3A_526 = arith.addf %scan3A_477, %get3A_525 : vector<16xf32>
        %get3A_527 = arith.constant 2 : i32
        %get3A_528 = arith.index_cast %get3A_527 : i32 to index
        %get3A_529 = arith.index_cast %scan3A_470 : i32 to index
        %get3A_530 = arith.constant 112 : index
        %get3A_531 = tpu.vector_load %arg6[%get3A_528, %get3A_529, %get3A_530] {strides = array<i32>} : memref<3x200x128xf32, #tpu.memory_space<vmem>>, vector<1x1x16xf32>,
        %get3A_532 = vector.shape_cast %get3A_531 : vector<1x1x16xf32> to vector<16xf32>
        %add3A_533 = arith.addf %scan3A_478, %get3A_532 : vector<16xf32>
        %scan3A_534 = arith.constant 1 : i32
        %scan3A_535 = arith.addi %scan3A_470, %scan3A_534 : i32
        %get3A_536 = arith.constant 2 : i32
        %get3A_537 = arith.index_cast %get3A_536 : i32 to index
        %get3A_538 = arith.index_cast %scan3A_535 : i32 to index
        %get3A_539 = arith.constant 0 : index
        %get3A_540 = tpu.vector_load %arg6[%get3A_537, %get3A_538, %get3A_539] {strides = array<i32>} : memref<3x200x128xf32, #tpu.memory_space<vmem>>, vector<1x1x16xf32>,
        %get3A_541 = vector.shape_cast %get3A_540 : vector<1x1x16xf32> to vector<16xf32>
        %add3A_542 = arith.addf %add3A_484, %get3A_541 : vector<16xf32>
        %get3A_543 = arith.constant 2 : i32
        %get3A_544 = arith.index_cast %get3A_543 : i32 to index
        %get3A_545 = arith.index_cast %scan3A_535 : i32 to index
        %get3A_546 = arith.constant 16 : index
        %get3A_547 = tpu.vector_load %arg6[%get3A_544, %get3A_545, %get3A_546] {strides = array<i32>} : memref<3x200x128xf32, #tpu.memory_space<vmem>>, vector<1x1x16xf32>,
        %get3A_548 = vector.shape_cast %get3A_547 : vector<1x1x16xf32> to vector<16xf32>
        %add3A_549 = arith.addf %add3A_491, %get3A_548 : vector<16xf32>
        %get3A_550 = arith.constant 2 : i32
        %get3A_551 = arith.index_cast %get3A_550 : i32 to index
        %get3A_552 = arith.index_cast %scan3A_535 : i32 to index
        %get3A_553 = arith.constant 32 : index
        %get3A_554 = tpu.vector_load %arg6[%get3A_551, %get3A_552, %get3A_553] {strides = array<i32>} : memref<3x200x128xf32, #tpu.memory_space<vmem>>, vector<1x1x16xf32>,
        %get3A_555 = vector.shape_cast %get3A_554 : vector<1x1x16xf32> to vector<16xf32>
        %add3A_556 = arith.addf %add3A_498, %get3A_555 : vector<16xf32>
        %get3A_557 = arith.constant 2 : i32
        %get3A_558 = arith.index_cast %get3A_557 : i32 to index
        %get3A_559 = arith.index_cast %scan3A_535 : i32 to index
        %get3A_560 = arith.constant 48 : index
        %get3A_561 = tpu.vector_load %arg6[%get3A_558, %get3A_559, %get3A_560] {strides = array<i32>} : memref<3x200x128xf32, #tpu.memory_space<vmem>>, vector<1x1x16xf32>,
        %get3A_562 = vector.shape_cast %get3A_561 : vector<1x1x16xf32> to vector<16xf32>
        %add3A_563 = arith.addf %add3A_505, %get3A_562 : vector<16xf32>
        %get3A_564 = arith.constant 2 : i32
        %get3A_565 = arith.index_cast %get3A_564 : i32 to index
        %get3A_566 = arith.index_cast %scan3A_535 : i32 to index
        %get3A_567 = arith.constant 64 : index
        %get3A_568 = tpu.vector_load %arg6[%get3A_565, %get3A_566, %get3A_567] {strides = array<i32>} : memref<3x200x128xf32, #tpu.memory_space<vmem>>, vector<1x1x16xf32>,
        %get3A_569 = vector.shape_cast %get3A_568 : vector<1x1x16xf32> to vector<16xf32>
        %add3A_570 = arith.addf %add3A_512, %get3A_569 : vector<16xf32>
        %get3A_571 = arith.constant 2 : i32
        %get3A_572 = arith.index_cast %get3A_571 : i32 to index
        %get3A_573 = arith.index_cast %scan3A_535 : i32 to index
        %get3A_574 = arith.constant 80 : index
        %get3A_575 = tpu.vector_load %arg6[%get3A_572, %get3A_573, %get3A_574] {strides = array<i32>} : memref<3x200x128xf32, #tpu.memory_space<vmem>>, vector<1x1x16xf32>,
        %get3A_576 = vector.shape_cast %get3A_575 : vector<1x1x16xf32> to vector<16xf32>
        %add3A_577 = arith.addf %add3A_519, %get3A_576 : vector<16xf32>
        %get3A_578 = arith.constant 2 : i32
        %get3A_579 = arith.index_cast %get3A_578 : i32 to index
        %get3A_580 = arith.index_cast %scan3A_535 : i32 to index
        %get3A_581 = arith.constant 96 : index
        %get3A_582 = tpu.vector_load %arg6[%get3A_579, %get3A_580, %get3A_581] {strides = array<i32>} : memref<3x200x128xf32, #tpu.memory_space<vmem>>, vector<1x1x16xf32>,
        %get3A_583 = vector.shape_cast %get3A_582 : vector<1x1x16xf32> to vector<16xf32>
        %add3A_584 = arith.addf %add3A_526, %get3A_583 : vector<16xf32>
        %get3A_585 = arith.constant 2 : i32
        %get3A_586 = arith.index_cast %get3A_585 : i32 to index
        %get3A_587 = arith.index_cast %scan3A_535 : i32 to index
        %get3A_588 = arith.constant 112 : index
        %get3A_589 = tpu.vector_load %arg6[%get3A_586, %get3A_587, %get3A_588] {strides = array<i32>} : memref<3x200x128xf32, #tpu.memory_space<vmem>>, vector<1x1x16xf32>,
        %get3A_590 = vector.shape_cast %get3A_589 : vector<1x1x16xf32> to vector<16xf32>
        %add3A_591 = arith.addf %add3A_533, %get3A_590 : vector<16xf32>
        %scan3A_592 = arith.constant 2 : i32
        %scan3A_593 = arith.addi %scan3A_470, %scan3A_592 : i32
        %get3A_594 = arith.constant 2 : i32
        %get3A_595 = arith.index_cast %get3A_594 : i32 to index
        %get3A_596 = arith.index_cast %scan3A_593 : i32 to index
        %get3A_597 = arith.constant 0 : index
        %get3A_598 = tpu.vector_load %arg6[%get3A_595, %get3A_596, %get3A_597] {strides = array<i32>} : memref<3x200x128xf32, #tpu.memory_space<vmem>>, vector<1x1x16xf32>,
        %get3A_599 = vector.shape_cast %get3A_598 : vector<1x1x16xf32> to vector<16xf32>
        %add3A_600 = arith.addf %add3A_542, %get3A_599 : vector<16xf32>
        %get3A_601 = arith.constant 2 : i32
        %get3A_602 = arith.index_cast %get3A_601 : i32 to index
        %get3A_603 = arith.index_cast %scan3A_593 : i32 to index
        %get3A_604 = arith.constant 16 : index
        %get3A_605 = tpu.vector_load %arg6[%get3A_602, %get3A_603, %get3A_604] {strides = array<i32>} : memref<3x200x128xf32, #tpu.memory_space<vmem>>, vector<1x1x16xf32>,
        %get3A_606 = vector.shape_cast %get3A_605 : vector<1x1x16xf32> to vector<16xf32>
        %add3A_607 = arith.addf %add3A_549, %get3A_606 : vector<16xf32>
        %get3A_608 = arith.constant 2 : i32
        %get3A_609 = arith.index_cast %get3A_608 : i32 to index
        %get3A_610 = arith.index_cast %scan3A_593 : i32 to index
        %get3A_611 = arith.constant 32 : index
        %get3A_612 = tpu.vector_load %arg6[%get3A_609, %get3A_610, %get3A_611] {strides = array<i32>} : memref<3x200x128xf32, #tpu.memory_space<vmem>>, vector<1x1x16xf32>,
        %get3A_613 = vector.shape_cast %get3A_612 : vector<1x1x16xf32> to vector<16xf32>
        %add3A_614 = arith.addf %add3A_556, %get3A_613 : vector<16xf32>
        %get3A_615 = arith.constant 2 : i32
        %get3A_616 = arith.index_cast %get3A_615 : i32 to index
        %get3A_617 = arith.index_cast %scan3A_593 : i32 to index
        %get3A_618 = arith.constant 48 : index
        %get3A_619 = tpu.vector_load %arg6[%get3A_616, %get3A_617, %get3A_618] {strides = array<i32>} : memref<3x200x128xf32, #tpu.memory_space<vmem>>, vector<1x1x16xf32>,
        %get3A_620 = vector.shape_cast %get3A_619 : vector<1x1x16xf32> to vector<16xf32>
        %add3A_621 = arith.addf %add3A_563, %get3A_620 : vector<16xf32>
        %get3A_622 = arith.constant 2 : i32
        %get3A_623 = arith.index_cast %get3A_622 : i32 to index
        %get3A_624 = arith.index_cast %scan3A_593 : i32 to index
        %get3A_625 = arith.constant 64 : index
        %get3A_626 = tpu.vector_load %arg6[%get3A_623, %get3A_624, %get3A_625] {strides = array<i32>} : memref<3x200x128xf32, #tpu.memory_space<vmem>>, vector<1x1x16xf32>,
        %get3A_627 = vector.shape_cast %get3A_626 : vector<1x1x16xf32> to vector<16xf32>
        %add3A_628 = arith.addf %add3A_570, %get3A_627 : vector<16xf32>
        %get3A_629 = arith.constant 2 : i32
        %get3A_630 = arith.index_cast %get3A_629 : i32 to index
        %get3A_631 = arith.index_cast %scan3A_593 : i32 to index
        %get3A_632 = arith.constant 80 : index
        %get3A_633 = tpu.vector_load %arg6[%get3A_630, %get3A_631, %get3A_632] {strides = array<i32>} : memref<3x200x128xf32, #tpu.memory_space<vmem>>, vector<1x1x16xf32>,
        %get3A_634 = vector.shape_cast %get3A_633 : vector<1x1x16xf32> to vector<16xf32>
        %add3A_635 = arith.addf %add3A_577, %get3A_634 : vector<16xf32>
        %get3A_636 = arith.constant 2 : i32
        %get3A_637 = arith.index_cast %get3A_636 : i32 to index
        %get3A_638 = arith.index_cast %scan3A_593 : i32 to index
        %get3A_639 = arith.constant 96 : index
        %get3A_640 = tpu.vector_load %arg6[%get3A_637, %get3A_638, %get3A_639] {strides = array<i32>} : memref<3x200x128xf32, #tpu.memory_space<vmem>>, vector<1x1x16xf32>,
        %get3A_641 = vector.shape_cast %get3A_640 : vector<1x1x16xf32> to vector<16xf32>
        %add3A_642 = arith.addf %add3A_584, %get3A_641 : vector<16xf32>
        %get3A_643 = arith.constant 2 : i32
        %get3A_644 = arith.index_cast %get3A_643 : i32 to index
        %get3A_645 = arith.index_cast %scan3A_593 : i32 to index
        %get3A_646 = arith.constant 112 : index
        %get3A_647 = tpu.vector_load %arg6[%get3A_644, %get3A_645, %get3A_646] {strides = array<i32>} : memref<3x200x128xf32, #tpu.memory_space<vmem>>, vector<1x1x16xf32>,
        %get3A_648 = vector.shape_cast %get3A_647 : vector<1x1x16xf32> to vector<16xf32>
        %add3A_649 = arith.addf %add3A_591, %get3A_648 : vector<16xf32>
        %scan3A_650 = arith.constant 3 : i32
        %scan3A_651 = arith.addi %scan3A_470, %scan3A_650 : i32
        %get3A_652 = arith.constant 2 : i32
        %get3A_653 = arith.index_cast %get3A_652 : i32 to index
        %get3A_654 = arith.index_cast %scan3A_651 : i32 to index
        %get3A_655 = arith.constant 0 : index
        %get3A_656 = tpu.vector_load %arg6[%get3A_653, %get3A_654, %get3A_655] {strides = array<i32>} : memref<3x200x128xf32, #tpu.memory_space<vmem>>, vector<1x1x16xf32>,
        %get3A_657 = vector.shape_cast %get3A_656 : vector<1x1x16xf32> to vector<16xf32>
        %add3A_658 = arith.addf %add3A_600, %get3A_657 : vector<16xf32>
        %get3A_659 = arith.constant 2 : i32
        %get3A_660 = arith.index_cast %get3A_659 : i32 to index
        %get3A_661 = arith.index_cast %scan3A_651 : i32 to index
        %get3A_662 = arith.constant 16 : index
        %get3A_663 = tpu.vector_load %arg6[%get3A_660, %get3A_661, %get3A_662] {strides = array<i32>} : memref<3x200x128xf32, #tpu.memory_space<vmem>>, vector<1x1x16xf32>,
        %get3A_664 = vector.shape_cast %get3A_663 : vector<1x1x16xf32> to vector<16xf32>
        %add3A_665 = arith.addf %add3A_607, %get3A_664 : vector<16xf32>
        %get3A_666 = arith.constant 2 : i32
        %get3A_667 = arith.index_cast %get3A_666 : i32 to index
        %get3A_668 = arith.index_cast %scan3A_651 : i32 to index
        %get3A_669 = arith.constant 32 : index
        %get3A_670 = tpu.vector_load %arg6[%get3A_667, %get3A_668, %get3A_669] {strides = array<i32>} : memref<3x200x128xf32, #tpu.memory_space<vmem>>, vector<1x1x16xf32>,
        %get3A_671 = vector.shape_cast %get3A_670 : vector<1x1x16xf32> to vector<16xf32>
        %add3A_672 = arith.addf %add3A_614, %get3A_671 : vector<16xf32>
        %get3A_673 = arith.constant 2 : i32
        %get3A_674 = arith.index_cast %get3A_673 : i32 to index
        %get3A_675 = arith.index_cast %scan3A_651 : i32 to index
        %get3A_676 = arith.constant 48 : index
        %get3A_677 = tpu.vector_load %arg6[%get3A_674, %get3A_675, %get3A_676] {strides = array<i32>} : memref<3x200x128xf32, #tpu.memory_space<vmem>>, vector<1x1x16xf32>,
        %get3A_678 = vector.shape_cast %get3A_677 : vector<1x1x16xf32> to vector<16xf32>
        %add3A_679 = arith.addf %add3A_621, %get3A_678 : vector<16xf32>
        %get3A_680 = arith.constant 2 : i32
        %get3A_681 = arith.index_cast %get3A_680 : i32 to index
        %get3A_682 = arith.index_cast %scan3A_651 : i32 to index
        %get3A_683 = arith.constant 64 : index
        %get3A_684 = tpu.vector_load %arg6[%get3A_681, %get3A_682, %get3A_683] {strides = array<i32>} : memref<3x200x128xf32, #tpu.memory_space<vmem>>, vector<1x1x16xf32>,
        %get3A_685 = vector.shape_cast %get3A_684 : vector<1x1x16xf32> to vector<16xf32>
        %add3A_686 = arith.addf %add3A_628, %get3A_685 : vector<16xf32>
        %get3A_687 = arith.constant 2 : i32
        %get3A_688 = arith.index_cast %get3A_687 : i32 to index
        %get3A_689 = arith.index_cast %scan3A_651 : i32 to index
        %get3A_690 = arith.constant 80 : index
        %get3A_691 = tpu.vector_load %arg6[%get3A_688, %get3A_689, %get3A_690] {strides = array<i32>} : memref<3x200x128xf32, #tpu.memory_space<vmem>>, vector<1x1x16xf32>,
        %get3A_692 = vector.shape_cast %get3A_691 : vector<1x1x16xf32> to vector<16xf32>
        %add3A_693 = arith.addf %add3A_635, %get3A_692 : vector<16xf32>
        %get3A_694 = arith.constant 2 : i32
        %get3A_695 = arith.index_cast %get3A_694 : i32 to index
        %get3A_696 = arith.index_cast %scan3A_651 : i32 to index
        %get3A_697 = arith.constant 96 : index
        %get3A_698 = tpu.vector_load %arg6[%get3A_695, %get3A_696, %get3A_697] {strides = array<i32>} : memref<3x200x128xf32, #tpu.memory_space<vmem>>, vector<1x1x16xf32>,
        %get3A_699 = vector.shape_cast %get3A_698 : vector<1x1x16xf32> to vector<16xf32>
        %add3A_700 = arith.addf %add3A_642, %get3A_699 : vector<16xf32>
        %get3A_701 = arith.constant 2 : i32
        %get3A_702 = arith.index_cast %get3A_701 : i32 to index
        %get3A_703 = arith.index_cast %scan3A_651 : i32 to index
        %get3A_704 = arith.constant 112 : index
        %get3A_705 = tpu.vector_load %arg6[%get3A_702, %get3A_703, %get3A_704] {strides = array<i32>} : memref<3x200x128xf32, #tpu.memory_space<vmem>>, vector<1x1x16xf32>,
        %get3A_706 = vector.shape_cast %get3A_705 : vector<1x1x16xf32> to vector<16xf32>
        %add3A_707 = arith.addf %add3A_649, %get3A_706 : vector<16xf32>
        scf.yield %add3A_658, %add3A_665, %add3A_672, %add3A_679, %add3A_686, %add3A_693, %add3A_700, %add3A_707 : vector<16xf32>, vector<16xf32>, vector<16xf32>, vector<16xf32>, vector<16xf32>, vector<16xf32>, vector<16xf32>, vector<16xf32>
      }
      %scan3A_429 = arith.constant 200 : i32
      %swap3A_430 = arith.index_cast %add3A_421 : i32 to index
      %swap3A_431 = arith.constant 0 : index
      %swap3A_432 = tpu.vector_load %arg7[%swap3A_430, %swap3A_431] {strides = array<i32>} : memref<128x128xf32, #tpu.memory_space<vmem>>, vector<1x16xf32>,
      %swap3A_433 = vector.shape_cast %swap3A_432 : vector<1x16xf32> to vector<16xf32>
      %swap3A_434 = vector.shape_cast %scan3A_428#0 : vector<16xf32> to vector<1x16xf32>
      tpu.vector_store %arg7[%swap3A_430, %swap3A_431], %swap3A_434 {strides = array<i32>} : memref<128x128xf32, #tpu.memory_space<vmem>>, vector<1x16xf32>,
      %swap3A_435 = arith.index_cast %add3A_421 : i32 to index
      %swap3A_436 = arith.constant 16 : index
      %swap3A_437 = tpu.vector_load %arg7[%swap3A_435, %swap3A_436] {strides = array<i32>} : memref<128x128xf32, #tpu.memory_space<vmem>>, vector<1x16xf32>,
      %swap3A_438 = vector.shape_cast %swap3A_437 : vector<1x16xf32> to vector<16xf32>
      %swap3A_439 = vector.shape_cast %scan3A_428#1 : vector<16xf32> to vector<1x16xf32>
      tpu.vector_store %arg7[%swap3A_435, %swap3A_436], %swap3A_439 {strides = array<i32>} : memref<128x128xf32, #tpu.memory_space<vmem>>, vector<1x16xf32>,
      %swap3A_440 = arith.index_cast %add3A_421 : i32 to index
      %swap3A_441 = arith.constant 32 : index
      %swap3A_442 = tpu.vector_load %arg7[%swap3A_440, %swap3A_441] {strides = array<i32>} : memref<128x128xf32, #tpu.memory_space<vmem>>, vector<1x16xf32>,
      %swap3A_443 = vector.shape_cast %swap3A_442 : vector<1x16xf32> to vector<16xf32>
      %swap3A_444 = vector.shape_cast %scan3A_428#2 : vector<16xf32> to vector<1x16xf32>
      tpu.vector_store %arg7[%swap3A_440, %swap3A_441], %swap3A_444 {strides = array<i32>} : memref<128x128xf32, #tpu.memory_space<vmem>>, vector<1x16xf32>,
      %swap3A_445 = arith.index_cast %add3A_421 : i32 to index
      %swap3A_446 = arith.constant 48 : index
      %swap3A_447 = tpu.vector_load %arg7[%swap3A_445, %swap3A_446] {strides = array<i32>} : memref<128x128xf32, #tpu.memory_space<vmem>>, vector<1x16xf32>,
      %swap3A_448 = vector.shape_cast %swap3A_447 : vector<1x16xf32> to vector<16xf32>
      %swap3A_449 = vector.shape_cast %scan3A_428#3 : vector<16xf32> to vector<1x16xf32>
      tpu.vector_store %arg7[%swap3A_445, %swap3A_446], %swap3A_449 {strides = array<i32>} : memref<128x128xf32, #tpu.memory_space<vmem>>, vector<1x16xf32>,
      %swap3A_450 = arith.index_cast %add3A_421 : i32 to index
      %swap3A_451 = arith.constant 64 : index
      %swap3A_452 = tpu.vector_load %arg7[%swap3A_450, %swap3A_451] {strides = array<i32>} : memref<128x128xf32, #tpu.memory_space<vmem>>, vector<1x16xf32>,
      %swap3A_453 = vector.shape_cast %swap3A_452 : vector<1x16xf32> to vector<16xf32>
      %swap3A_454 = vector.shape_cast %scan3A_428#4 : vector<16xf32> to vector<1x16xf32>
      tpu.vector_store %arg7[%swap3A_450, %swap3A_451], %swap3A_454 {strides = array<i32>} : memref<128x128xf32, #tpu.memory_space<vmem>>, vector<1x16xf32>,
      %swap3A_455 = arith.index_cast %add3A_421 : i32 to index
      %swap3A_456 = arith.constant 80 : index
      %swap3A_457 = tpu.vector_load %arg7[%swap3A_455, %swap3A_456] {strides = array<i32>} : memref<128x128xf32, #tpu.memory_space<vmem>>, vector<1x16xf32>,
      %swap3A_458 = vector.shape_cast %swap3A_457 : vector<1x16xf32> to vector<16xf32>
      %swap3A_459 = vector.shape_cast %scan3A_428#5 : vector<16xf32> to vector<1x16xf32>
      tpu.vector_store %arg7[%swap3A_455, %swap3A_456], %swap3A_459 {strides = array<i32>} : memref<128x128xf32, #tpu.memory_space<vmem>>, vector<1x16xf32>,
      %swap3A_460 = arith.index_cast %add3A_421 : i32 to index
      %swap3A_461 = arith.constant 96 : index
      %swap3A_462 = tpu.vector_load %arg7[%swap3A_460, %swap3A_461] {strides = array<i32>} : memref<128x128xf32, #tpu.memory_space<vmem>>, vector<1x16xf32>,
      %swap3A_463 = vector.shape_cast %swap3A_462 : vector<1x16xf32> to vector<16xf32>
      %swap3A_464 = vector.shape_cast %scan3A_428#6 : vector<16xf32> to vector<1x16xf32>
      tpu.vector_store %arg7[%swap3A_460, %swap3A_461], %swap3A_464 {strides = array<i32>} : memref<128x128xf32, #tpu.memory_space<vmem>>, vector<1x16xf32>,
      %swap3A_465 = arith.index_cast %add3A_421 : i32 to index
      %swap3A_466 = arith.constant 112 : index
      %swap3A_467 = tpu.vector_load %arg7[%swap3A_465, %swap3A_466] {strides = array<i32>} : memref<128x128xf32, #tpu.memory_space<vmem>>, vector<1x16xf32>,
      %swap3A_468 = vector.shape_cast %swap3A_467 : vector<1x16xf32> to vector<16xf32>
      %swap3A_469 = vector.shape_cast %scan3A_428#7 : vector<16xf32> to vector<1x16xf32>
      tpu.vector_store %arg7[%swap3A_465, %swap3A_466], %swap3A_469 {strides = array<i32>} : memref<128x128xf32, #tpu.memory_space<vmem>>, vector<1x16xf32>,
    }
    %scan3A_54 = arith.constant 42 : i32
    %dma_wait3A = arith.constant 0 : i32
    %dma_wait3A_55 = arith.constant 0 : i32
    %dma_wait3A_56 = arith.constant 0 : i32
    %dma_wait3A_57 = tpu.memref_slice %arg6[%dma_wait3A, %dma_wait3A_55, %dma_wait3A_56] : memref<3x200x128xf32, #tpu.memory_space<vmem>> -> memref<1x200x128xf32, #tpu.memory_space<vmem>>
    %dma_wait3A_58 = tpu.memref_squeeze %dma_wait3A_57 : memref<1x200x128xf32, #tpu.memory_space<vmem>> -> memref<200x128xf32, #tpu.memory_space<vmem>>
    %dma_wait3A_59 = arith.constant 0 : i32
    %dma_wait3A_60 = arith.constant 0 : i32
    %dma_wait3A_61 = tpu.memref_slice %arg3[%dma_wait3A_59, %dma_wait3A_60] : memref<100000x128xf32, #tpu.memory_space<hbm>> -> memref<200x128xf32, #tpu.memory_space<hbm>>
    %dma_wait3A_62 = arith.constant 0 : i32
    %dma_wait3A_63 = arith.constant 0 : i32
    %dma_wait3A_64 = tpu.memref_slice %arg6[%dma_wait3A, %dma_wait3A_62, %dma_wait3A_63] : memref<3x200x128xf32, #tpu.memory_space<vmem>> -> memref<1x200x128xf32, #tpu.memory_space<vmem>>
    %dma_wait3A_65 = tpu.memref_squeeze %dma_wait3A_64 : memref<1x200x128xf32, #tpu.memory_space<vmem>> -> memref<200x128xf32, #tpu.memory_space<vmem>>
    %dma_wait3A_66 = arith.constant 0 : i32
    %dma_wait3A_67 = arith.constant 0 : i32
    %dma_wait3A_68 = tpu.memref_slice %arg3[%dma_wait3A_66, %dma_wait3A_67] : memref<100000x128xf32, #tpu.memory_space<hbm>> -> memref<200x128xf32, #tpu.memory_space<hbm>>
    tpu.wait_dma2 semaphore(%arg8 : memref<!tpu.dma_semaphore, #tpu.memory_space<semaphore_mem>>) src(%dma_wait3A_68 : memref<200x128xf32, #tpu.memory_space<hbm>>) dst(%dma_wait3A_65 : memref<200x128xf32, #tpu.memory_space<vmem>>)
    %broadcast_in_dim3A = arith.constant 0.000000e+00 : f32
    %broadcast_in_dim3A_69 = vector.broadcast %broadcast_in_dim3A : f32 to vector<16xf32>
    %scan3A_70 = arith.constant 0 : i32
    %scan3A_71 = arith.constant 200 : i32
    %scan3A_72 = arith.addi %scan3A_70, %scan3A_71 : i32
    %scan3A_73 = arith.constant 4 : i32
    %scan3A_74:8 = scf.for %scan3A_194 = %scan3A_70 to %scan3A_72 step %scan3A_73 iter_args(%scan3A_195 = %broadcast_in_dim3A_69, %scan3A_196 = %broadcast_in_dim3A_69, %scan3A_197 = %broadcast_in_dim3A_69, %scan3A_198 = %broadcast_in_dim3A_69, %scan3A_199 = %broadcast_in_dim3A_69, %scan3A_200 = %broadcast_in_dim3A_69, %scan3A_201 = %broadcast_in_dim3A_69, %scan3A_202 = %broadcast_in_dim3A_69) -> (vector<16xf32>, vector<16xf32>, vector<16xf32>, vector<16xf32>, vector<16xf32>, vector<16xf32>, vector<16xf32>, vector<16xf32>)  : i32 {
      %get3A = arith.constant 0 : i32
      %get3A_203 = arith.index_cast %get3A : i32 to index
      %get3A_204 = arith.index_cast %scan3A_194 : i32 to index
      %get3A_205 = arith.constant 0 : index
      %get3A_206 = tpu.vector_load %arg6[%get3A_203, %get3A_204, %get3A_205] {strides = array<i32>} : memref<3x200x128xf32, #tpu.memory_space<vmem>>, vector<1x1x16xf32>,
      %get3A_207 = vector.shape_cast %get3A_206 : vector<1x1x16xf32> to vector<16xf32>
      %add3A_208 = arith.addf %scan3A_195, %get3A_207 : vector<16xf32>
      %get3A_209 = arith.constant 0 : i32
      %get3A_210 = arith.index_cast %get3A_209 : i32 to index
      %get3A_211 = arith.index_cast %scan3A_194 : i32 to index
      %get3A_212 = arith.constant 16 : index
      %get3A_213 = tpu.vector_load %arg6[%get3A_210, %get3A_211, %get3A_212] {strides = array<i32>} : memref<3x200x128xf32, #tpu.memory_space<vmem>>, vector<1x1x16xf32>,
      %get3A_214 = vector.shape_cast %get3A_213 : vector<1x1x16xf32> to vector<16xf32>
      %add3A_215 = arith.addf %scan3A_196, %get3A_214 : vector<16xf32>
      %get3A_216 = arith.constant 0 : i32
      %get3A_217 = arith.index_cast %get3A_216 : i32 to index
      %get3A_218 = arith.index_cast %scan3A_194 : i32 to index
      %get3A_219 = arith.constant 32 : index
      %get3A_220 = tpu.vector_load %arg6[%get3A_217, %get3A_218, %get3A_219] {strides = array<i32>} : memref<3x200x128xf32, #tpu.memory_space<vmem>>, vector<1x1x16xf32>,
      %get3A_221 = vector.shape_cast %get3A_220 : vector<1x1x16xf32> to vector<16xf32>
      %add3A_222 = arith.addf %scan3A_197, %get3A_221 : vector<16xf32>
      %get3A_223 = arith.constant 0 : i32
      %get3A_224 = arith.index_cast %get3A_223 : i32 to index
      %get3A_225 = arith.index_cast %scan3A_194 : i32 to index
      %get3A_226 = arith.constant 48 : index
      %get3A_227 = tpu.vector_load %arg6[%get3A_224, %get3A_225, %get3A_226] {strides = array<i32>} : memref<3x200x128xf32, #tpu.memory_space<vmem>>, vector<1x1x16xf32>,
      %get3A_228 = vector.shape_cast %get3A_227 : vector<1x1x16xf32> to vector<16xf32>
      %add3A_229 = arith.addf %scan3A_198, %get3A_228 : vector<16xf32>
      %get3A_230 = arith.constant 0 : i32
      %get3A_231 = arith.index_cast %get3A_230 : i32 to index
      %get3A_232 = arith.index_cast %scan3A_194 : i32 to index
      %get3A_233 = arith.constant 64 : index
      %get3A_234 = tpu.vector_load %arg6[%get3A_231, %get3A_232, %get3A_233] {strides = array<i32>} : memref<3x200x128xf32, #tpu.memory_space<vmem>>, vector<1x1x16xf32>,
      %get3A_235 = vector.shape_cast %get3A_234 : vector<1x1x16xf32> to vector<16xf32>
      %add3A_236 = arith.addf %scan3A_199, %get3A_235 : vector<16xf32>
      %get3A_237 = arith.constant 0 : i32
      %get3A_238 = arith.index_cast %get3A_237 : i32 to index
      %get3A_239 = arith.index_cast %scan3A_194 : i32 to index
      %get3A_240 = arith.constant 80 : index
      %get3A_241 = tpu.vector_load %arg6[%get3A_238, %get3A_239, %get3A_240] {strides = array<i32>} : memref<3x200x128xf32, #tpu.memory_space<vmem>>, vector<1x1x16xf32>,
      %get3A_242 = vector.shape_cast %get3A_241 : vector<1x1x16xf32> to vector<16xf32>
      %add3A_243 = arith.addf %scan3A_200, %get3A_242 : vector<16xf32>
      %get3A_244 = arith.constant 0 : i32
      %get3A_245 = arith.index_cast %get3A_244 : i32 to index
      %get3A_246 = arith.index_cast %scan3A_194 : i32 to index
      %get3A_247 = arith.constant 96 : index
      %get3A_248 = tpu.vector_load %arg6[%get3A_245, %get3A_246, %get3A_247] {strides = array<i32>} : memref<3x200x128xf32, #tpu.memory_space<vmem>>, vector<1x1x16xf32>,
      %get3A_249 = vector.shape_cast %get3A_248 : vector<1x1x16xf32> to vector<16xf32>
      %add3A_250 = arith.addf %scan3A_201, %get3A_249 : vector<16xf32>
      %get3A_251 = arith.constant 0 : i32
      %get3A_252 = arith.index_cast %get3A_251 : i32 to index
      %get3A_253 = arith.index_cast %scan3A_194 : i32 to index
      %get3A_254 = arith.constant 112 : index
      %get3A_255 = tpu.vector_load %arg6[%get3A_252, %get3A_253, %get3A_254] {strides = array<i32>} : memref<3x200x128xf32, #tpu.memory_space<vmem>>, vector<1x1x16xf32>,
      %get3A_256 = vector.shape_cast %get3A_255 : vector<1x1x16xf32> to vector<16xf32>
      %add3A_257 = arith.addf %scan3A_202, %get3A_256 : vector<16xf32>
      %scan3A_258 = arith.constant 1 : i32
      %scan3A_259 = arith.addi %scan3A_194, %scan3A_258 : i32
      %get3A_260 = arith.constant 0 : i32
      %get3A_261 = arith.index_cast %get3A_260 : i32 to index
      %get3A_262 = arith.index_cast %scan3A_259 : i32 to index
      %get3A_263 = arith.constant 0 : index
      %get3A_264 = tpu.vector_load %arg6[%get3A_261, %get3A_262, %get3A_263] {strides = array<i32>} : memref<3x200x128xf32, #tpu.memory_space<vmem>>, vector<1x1x16xf32>,
      %get3A_265 = vector.shape_cast %get3A_264 : vector<1x1x16xf32> to vector<16xf32>
      %add3A_266 = arith.addf %add3A_208, %get3A_265 : vector<16xf32>
      %get3A_267 = arith.constant 0 : i32
      %get3A_268 = arith.index_cast %get3A_267 : i32 to index
      %get3A_269 = arith.index_cast %scan3A_259 : i32 to index
      %get3A_270 = arith.constant 16 : index
      %get3A_271 = tpu.vector_load %arg6[%get3A_268, %get3A_269, %get3A_270] {strides = array<i32>} : memref<3x200x128xf32, #tpu.memory_space<vmem>>, vector<1x1x16xf32>,
      %get3A_272 = vector.shape_cast %get3A_271 : vector<1x1x16xf32> to vector<16xf32>
      %add3A_273 = arith.addf %add3A_215, %get3A_272 : vector<16xf32>
      %get3A_274 = arith.constant 0 : i32
      %get3A_275 = arith.index_cast %get3A_274 : i32 to index
      %get3A_276 = arith.index_cast %scan3A_259 : i32 to index
      %get3A_277 = arith.constant 32 : index
      %get3A_278 = tpu.vector_load %arg6[%get3A_275, %get3A_276, %get3A_277] {strides = array<i32>} : memref<3x200x128xf32, #tpu.memory_space<vmem>>, vector<1x1x16xf32>,
      %get3A_279 = vector.shape_cast %get3A_278 : vector<1x1x16xf32> to vector<16xf32>
      %add3A_280 = arith.addf %add3A_222, %get3A_279 : vector<16xf32>
      %get3A_281 = arith.constant 0 : i32
      %get3A_282 = arith.index_cast %get3A_281 : i32 to index
      %get3A_283 = arith.index_cast %scan3A_259 : i32 to index
      %get3A_284 = arith.constant 48 : index
      %get3A_285 = tpu.vector_load %arg6[%get3A_282, %get3A_283, %get3A_284] {strides = array<i32>} : memref<3x200x128xf32, #tpu.memory_space<vmem>>, vector<1x1x16xf32>,
      %get3A_286 = vector.shape_cast %get3A_285 : vector<1x1x16xf32> to vector<16xf32>
      %add3A_287 = arith.addf %add3A_229, %get3A_286 : vector<16xf32>
      %get3A_288 = arith.constant 0 : i32
      %get3A_289 = arith.index_cast %get3A_288 : i32 to index
      %get3A_290 = arith.index_cast %scan3A_259 : i32 to index
      %get3A_291 = arith.constant 64 : index
      %get3A_292 = tpu.vector_load %arg6[%get3A_289, %get3A_290, %get3A_291] {strides = array<i32>} : memref<3x200x128xf32, #tpu.memory_space<vmem>>, vector<1x1x16xf32>,
      %get3A_293 = vector.shape_cast %get3A_292 : vector<1x1x16xf32> to vector<16xf32>
      %add3A_294 = arith.addf %add3A_236, %get3A_293 : vector<16xf32>
      %get3A_295 = arith.constant 0 : i32
      %get3A_296 = arith.index_cast %get3A_295 : i32 to index
      %get3A_297 = arith.index_cast %scan3A_259 : i32 to index
      %get3A_298 = arith.constant 80 : index
      %get3A_299 = tpu.vector_load %arg6[%get3A_296, %get3A_297, %get3A_298] {strides = array<i32>} : memref<3x200x128xf32, #tpu.memory_space<vmem>>, vector<1x1x16xf32>,
      %get3A_300 = vector.shape_cast %get3A_299 : vector<1x1x16xf32> to vector<16xf32>
      %add3A_301 = arith.addf %add3A_243, %get3A_300 : vector<16xf32>
      %get3A_302 = arith.constant 0 : i32
      %get3A_303 = arith.index_cast %get3A_302 : i32 to index
      %get3A_304 = arith.index_cast %scan3A_259 : i32 to index
      %get3A_305 = arith.constant 96 : index
      %get3A_306 = tpu.vector_load %arg6[%get3A_303, %get3A_304, %get3A_305] {strides = array<i32>} : memref<3x200x128xf32, #tpu.memory_space<vmem>>, vector<1x1x16xf32>,
      %get3A_307 = vector.shape_cast %get3A_306 : vector<1x1x16xf32> to vector<16xf32>
      %add3A_308 = arith.addf %add3A_250, %get3A_307 : vector<16xf32>
      %get3A_309 = arith.constant 0 : i32
      %get3A_310 = arith.index_cast %get3A_309 : i32 to index
      %get3A_311 = arith.index_cast %scan3A_259 : i32 to index
      %get3A_312 = arith.constant 112 : index
      %get3A_313 = tpu.vector_load %arg6[%get3A_310, %get3A_311, %get3A_312] {strides = array<i32>} : memref<3x200x128xf32, #tpu.memory_space<vmem>>, vector<1x1x16xf32>,
      %get3A_314 = vector.shape_cast %get3A_313 : vector<1x1x16xf32> to vector<16xf32>
      %add3A_315 = arith.addf %add3A_257, %get3A_314 : vector<16xf32>
      %scan3A_316 = arith.constant 2 : i32
      %scan3A_317 = arith.addi %scan3A_194, %scan3A_316 : i32
      %get3A_318 = arith.constant 0 : i32
      %get3A_319 = arith.index_cast %get3A_318 : i32 to index
      %get3A_320 = arith.index_cast %scan3A_317 : i32 to index
      %get3A_321 = arith.constant 0 : index
      %get3A_322 = tpu.vector_load %arg6[%get3A_319, %get3A_320, %get3A_321] {strides = array<i32>} : memref<3x200x128xf32, #tpu.memory_space<vmem>>, vector<1x1x16xf32>,
      %get3A_323 = vector.shape_cast %get3A_322 : vector<1x1x16xf32> to vector<16xf32>
      %add3A_324 = arith.addf %add3A_266, %get3A_323 : vector<16xf32>
      %get3A_325 = arith.constant 0 : i32
      %get3A_326 = arith.index_cast %get3A_325 : i32 to index
      %get3A_327 = arith.index_cast %scan3A_317 : i32 to index
      %get3A_328 = arith.constant 16 : index
      %get3A_329 = tpu.vector_load %arg6[%get3A_326, %get3A_327, %get3A_328] {strides = array<i32>} : memref<3x200x128xf32, #tpu.memory_space<vmem>>, vector<1x1x16xf32>,
      %get3A_330 = vector.shape_cast %get3A_329 : vector<1x1x16xf32> to vector<16xf32>
      %add3A_331 = arith.addf %add3A_273, %get3A_330 : vector<16xf32>
      %get3A_332 = arith.constant 0 : i32
      %get3A_333 = arith.index_cast %get3A_332 : i32 to index
      %get3A_334 = arith.index_cast %scan3A_317 : i32 to index
      %get3A_335 = arith.constant 32 : index
      %get3A_336 = tpu.vector_load %arg6[%get3A_333, %get3A_334, %get3A_335] {strides = array<i32>} : memref<3x200x128xf32, #tpu.memory_space<vmem>>, vector<1x1x16xf32>,
      %get3A_337 = vector.shape_cast %get3A_336 : vector<1x1x16xf32> to vector<16xf32>
      %add3A_338 = arith.addf %add3A_280, %get3A_337 : vector<16xf32>
      %get3A_339 = arith.constant 0 : i32
      %get3A_340 = arith.index_cast %get3A_339 : i32 to index
      %get3A_341 = arith.index_cast %scan3A_317 : i32 to index
      %get3A_342 = arith.constant 48 : index
      %get3A_343 = tpu.vector_load %arg6[%get3A_340, %get3A_341, %get3A_342] {strides = array<i32>} : memref<3x200x128xf32, #tpu.memory_space<vmem>>, vector<1x1x16xf32>,
      %get3A_344 = vector.shape_cast %get3A_343 : vector<1x1x16xf32> to vector<16xf32>
      %add3A_345 = arith.addf %add3A_287, %get3A_344 : vector<16xf32>
      %get3A_346 = arith.constant 0 : i32
      %get3A_347 = arith.index_cast %get3A_346 : i32 to index
      %get3A_348 = arith.index_cast %scan3A_317 : i32 to index
      %get3A_349 = arith.constant 64 : index
      %get3A_350 = tpu.vector_load %arg6[%get3A_347, %get3A_348, %get3A_349] {strides = array<i32>} : memref<3x200x128xf32, #tpu.memory_space<vmem>>, vector<1x1x16xf32>,
      %get3A_351 = vector.shape_cast %get3A_350 : vector<1x1x16xf32> to vector<16xf32>
      %add3A_352 = arith.addf %add3A_294, %get3A_351 : vector<16xf32>
      %get3A_353 = arith.constant 0 : i32
      %get3A_354 = arith.index_cast %get3A_353 : i32 to index
      %get3A_355 = arith.index_cast %scan3A_317 : i32 to index
      %get3A_356 = arith.constant 80 : index
      %get3A_357 = tpu.vector_load %arg6[%get3A_354, %get3A_355, %get3A_356] {strides = array<i32>} : memref<3x200x128xf32, #tpu.memory_space<vmem>>, vector<1x1x16xf32>,
      %get3A_358 = vector.shape_cast %get3A_357 : vector<1x1x16xf32> to vector<16xf32>
      %add3A_359 = arith.addf %add3A_301, %get3A_358 : vector<16xf32>
      %get3A_360 = arith.constant 0 : i32
      %get3A_361 = arith.index_cast %get3A_360 : i32 to index
      %get3A_362 = arith.index_cast %scan3A_317 : i32 to index
      %get3A_363 = arith.constant 96 : index
      %get3A_364 = tpu.vector_load %arg6[%get3A_361, %get3A_362, %get3A_363] {strides = array<i32>} : memref<3x200x128xf32, #tpu.memory_space<vmem>>, vector<1x1x16xf32>,
      %get3A_365 = vector.shape_cast %get3A_364 : vector<1x1x16xf32> to vector<16xf32>
      %add3A_366 = arith.addf %add3A_308, %get3A_365 : vector<16xf32>
      %get3A_367 = arith.constant 0 : i32
      %get3A_368 = arith.index_cast %get3A_367 : i32 to index
      %get3A_369 = arith.index_cast %scan3A_317 : i32 to index
      %get3A_370 = arith.constant 112 : index
      %get3A_371 = tpu.vector_load %arg6[%get3A_368, %get3A_369, %get3A_370] {strides = array<i32>} : memref<3x200x128xf32, #tpu.memory_space<vmem>>, vector<1x1x16xf32>,
      %get3A_372 = vector.shape_cast %get3A_371 : vector<1x1x16xf32> to vector<16xf32>
      %add3A_373 = arith.addf %add3A_315, %get3A_372 : vector<16xf32>
      %scan3A_374 = arith.constant 3 : i32
      %scan3A_375 = arith.addi %scan3A_194, %scan3A_374 : i32
      %get3A_376 = arith.constant 0 : i32
      %get3A_377 = arith.index_cast %get3A_376 : i32 to index
      %get3A_378 = arith.index_cast %scan3A_375 : i32 to index
      %get3A_379 = arith.constant 0 : index
      %get3A_380 = tpu.vector_load %arg6[%get3A_377, %get3A_378, %get3A_379] {strides = array<i32>} : memref<3x200x128xf32, #tpu.memory_space<vmem>>, vector<1x1x16xf32>,
      %get3A_381 = vector.shape_cast %get3A_380 : vector<1x1x16xf32> to vector<16xf32>
      %add3A_382 = arith.addf %add3A_324, %get3A_381 : vector<16xf32>
      %get3A_383 = arith.constant 0 : i32
      %get3A_384 = arith.index_cast %get3A_383 : i32 to index
      %get3A_385 = arith.index_cast %scan3A_375 : i32 to index
      %get3A_386 = arith.constant 16 : index
      %get3A_387 = tpu.vector_load %arg6[%get3A_384, %get3A_385, %get3A_386] {strides = array<i32>} : memref<3x200x128xf32, #tpu.memory_space<vmem>>, vector<1x1x16xf32>,
      %get3A_388 = vector.shape_cast %get3A_387 : vector<1x1x16xf32> to vector<16xf32>
      %add3A_389 = arith.addf %add3A_331, %get3A_388 : vector<16xf32>
      %get3A_390 = arith.constant 0 : i32
      %get3A_391 = arith.index_cast %get3A_390 : i32 to index
      %get3A_392 = arith.index_cast %scan3A_375 : i32 to index
      %get3A_393 = arith.constant 32 : index
      %get3A_394 = tpu.vector_load %arg6[%get3A_391, %get3A_392, %get3A_393] {strides = array<i32>} : memref<3x200x128xf32, #tpu.memory_space<vmem>>, vector<1x1x16xf32>,
      %get3A_395 = vector.shape_cast %get3A_394 : vector<1x1x16xf32> to vector<16xf32>
      %add3A_396 = arith.addf %add3A_338, %get3A_395 : vector<16xf32>
      %get3A_397 = arith.constant 0 : i32
      %get3A_398 = arith.index_cast %get3A_397 : i32 to index
      %get3A_399 = arith.index_cast %scan3A_375 : i32 to index
      %get3A_400 = arith.constant 48 : index
      %get3A_401 = tpu.vector_load %arg6[%get3A_398, %get3A_399, %get3A_400] {strides = array<i32>} : memref<3x200x128xf32, #tpu.memory_space<vmem>>, vector<1x1x16xf32>,
      %get3A_402 = vector.shape_cast %get3A_401 : vector<1x1x16xf32> to vector<16xf32>
      %add3A_403 = arith.addf %add3A_345, %get3A_402 : vector<16xf32>
      %get3A_404 = arith.constant 0 : i32
      %get3A_405 = arith.index_cast %get3A_404 : i32 to index
      %get3A_406 = arith.index_cast %scan3A_375 : i32 to index
      %get3A_407 = arith.constant 64 : index
      %get3A_408 = tpu.vector_load %arg6[%get3A_405, %get3A_406, %get3A_407] {strides = array<i32>} : memref<3x200x128xf32, #tpu.memory_space<vmem>>, vector<1x1x16xf32>,
      %get3A_409 = vector.shape_cast %get3A_408 : vector<1x1x16xf32> to vector<16xf32>
      %add3A_410 = arith.addf %add3A_352, %get3A_409 : vector<16xf32>
      %get3A_411 = arith.constant 0 : i32
      %get3A_412 = arith.index_cast %get3A_411 : i32 to index
      %get3A_413 = arith.index_cast %scan3A_375 : i32 to index
      %get3A_414 = arith.constant 80 : index
      %get3A_415 = tpu.vector_load %arg6[%get3A_412, %get3A_413, %get3A_414] {strides = array<i32>} : memref<3x200x128xf32, #tpu.memory_space<vmem>>, vector<1x1x16xf32>,
      %get3A_416 = vector.shape_cast %get3A_415 : vector<1x1x16xf32> to vector<16xf32>
      %add3A_417 = arith.addf %add3A_359, %get3A_416 : vector<16xf32>
      %get3A_418 = arith.constant 0 : i32
      %get3A_419 = arith.index_cast %get3A_418 : i32 to index
      %get3A_420 = arith.index_cast %scan3A_375 : i32 to index
      %get3A_421 = arith.constant 96 : index
      %get3A_422 = tpu.vector_load %arg6[%get3A_419, %get3A_420, %get3A_421] {strides = array<i32>} : memref<3x200x128xf32, #tpu.memory_space<vmem>>, vector<1x1x16xf32>,
      %get3A_423 = vector.shape_cast %get3A_422 : vector<1x1x16xf32> to vector<16xf32>
      %add3A_424 = arith.addf %add3A_366, %get3A_423 : vector<16xf32>
      %get3A_425 = arith.constant 0 : i32
      %get3A_426 = arith.index_cast %get3A_425 : i32 to index
      %get3A_427 = arith.index_cast %scan3A_375 : i32 to index
      %get3A_428 = arith.constant 112 : index
      %get3A_429 = tpu.vector_load %arg6[%get3A_426, %get3A_427, %get3A_428] {strides = array<i32>} : memref<3x200x128xf32, #tpu.memory_space<vmem>>, vector<1x1x16xf32>,
      %get3A_430 = vector.shape_cast %get3A_429 : vector<1x1x16xf32> to vector<16xf32>
      %add3A_431 = arith.addf %add3A_373, %get3A_430 : vector<16xf32>
      scf.yield %add3A_382, %add3A_389, %add3A_396, %add3A_403, %add3A_410, %add3A_417, %add3A_424, %add3A_431 : vector<16xf32>, vector<16xf32>, vector<16xf32>, vector<16xf32>, vector<16xf32>, vector<16xf32>, vector<16xf32>, vector<16xf32>
    }
    %scan3A_75 = arith.constant 200 : i32
    %swap3A = arith.constant 126 : i32
    %swap3A_76 = arith.index_cast %swap3A : i32 to index
    %swap3A_77 = arith.constant 0 : index
    %swap3A_78 = tpu.vector_load %arg7[%swap3A_76, %swap3A_77] {strides = array<i32>} : memref<128x128xf32, #tpu.memory_space<vmem>>, vector<1x16xf32>,
    %swap3A_79 = vector.shape_cast %swap3A_78 : vector<1x16xf32> to vector<16xf32>
    %swap3A_80 = vector.shape_cast %scan3A_74#0 : vector<16xf32> to vector<1x16xf32>
    tpu.vector_store %arg7[%swap3A_76, %swap3A_77], %swap3A_80 {strides = array<i32>} : memref<128x128xf32, #tpu.memory_space<vmem>>, vector<1x16xf32>,
    %swap3A_81 = arith.constant 126 : i32
    %swap3A_82 = arith.index_cast %swap3A_81 : i32 to index
    %swap3A_83 = arith.constant 16 : index
    %swap3A_84 = tpu.vector_load %arg7[%swap3A_82, %swap3A_83] {strides = array<i32>} : memref<128x128xf32, #tpu.memory_space<vmem>>, vector<1x16xf32>,
    %swap3A_85 = vector.shape_cast %swap3A_84 : vector<1x16xf32> to vector<16xf32>
    %swap3A_86 = vector.shape_cast %scan3A_74#1 : vector<16xf32> to vector<1x16xf32>
    tpu.vector_store %arg7[%swap3A_82, %swap3A_83], %swap3A_86 {strides = array<i32>} : memref<128x128xf32, #tpu.memory_space<vmem>>, vector<1x16xf32>,
    %swap3A_87 = arith.constant 126 : i32
    %swap3A_88 = arith.index_cast %swap3A_87 : i32 to index
    %swap3A_89 = arith.constant 32 : index
    %swap3A_90 = tpu.vector_load %arg7[%swap3A_88, %swap3A_89] {strides = array<i32>} : memref<128x128xf32, #tpu.memory_space<vmem>>, vector<1x16xf32>,
    %swap3A_91 = vector.shape_cast %swap3A_90 : vector<1x16xf32> to vector<16xf32>
    %swap3A_92 = vector.shape_cast %scan3A_74#2 : vector<16xf32> to vector<1x16xf32>
    tpu.vector_store %arg7[%swap3A_88, %swap3A_89], %swap3A_92 {strides = array<i32>} : memref<128x128xf32, #tpu.memory_space<vmem>>, vector<1x16xf32>,
    %swap3A_93 = arith.constant 126 : i32
    %swap3A_94 = arith.index_cast %swap3A_93 : i32 to index
    %swap3A_95 = arith.constant 48 : index
    %swap3A_96 = tpu.vector_load %arg7[%swap3A_94, %swap3A_95] {strides = array<i32>} : memref<128x128xf32, #tpu.memory_space<vmem>>, vector<1x16xf32>,
    %swap3A_97 = vector.shape_cast %swap3A_96 : vector<1x16xf32> to vector<16xf32>
    %swap3A_98 = vector.shape_cast %scan3A_74#3 : vector<16xf32> to vector<1x16xf32>
    tpu.vector_store %arg7[%swap3A_94, %swap3A_95], %swap3A_98 {strides = array<i32>} : memref<128x128xf32, #tpu.memory_space<vmem>>, vector<1x16xf32>,
    %swap3A_99 = arith.constant 126 : i32
    %swap3A_100 = arith.index_cast %swap3A_99 : i32 to index
    %swap3A_101 = arith.constant 64 : index
    %swap3A_102 = tpu.vector_load %arg7[%swap3A_100, %swap3A_101] {strides = array<i32>} : memref<128x128xf32, #tpu.memory_space<vmem>>, vector<1x16xf32>,
    %swap3A_103 = vector.shape_cast %swap3A_102 : vector<1x16xf32> to vector<16xf32>
    %swap3A_104 = vector.shape_cast %scan3A_74#4 : vector<16xf32> to vector<1x16xf32>
    tpu.vector_store %arg7[%swap3A_100, %swap3A_101], %swap3A_104 {strides = array<i32>} : memref<128x128xf32, #tpu.memory_space<vmem>>, vector<1x16xf32>,
    %swap3A_105 = arith.constant 126 : i32
    %swap3A_106 = arith.index_cast %swap3A_105 : i32 to index
    %swap3A_107 = arith.constant 80 : index
    %swap3A_108 = tpu.vector_load %arg7[%swap3A_106, %swap3A_107] {strides = array<i32>} : memref<128x128xf32, #tpu.memory_space<vmem>>, vector<1x16xf32>,
    %swap3A_109 = vector.shape_cast %swap3A_108 : vector<1x16xf32> to vector<16xf32>
    %swap3A_110 = vector.shape_cast %scan3A_74#5 : vector<16xf32> to vector<1x16xf32>
    tpu.vector_store %arg7[%swap3A_106, %swap3A_107], %swap3A_110 {strides = array<i32>} : memref<128x128xf32, #tpu.memory_space<vmem>>, vector<1x16xf32>,
    %swap3A_111 = arith.constant 126 : i32
    %swap3A_112 = arith.index_cast %swap3A_111 : i32 to index
    %swap3A_113 = arith.constant 96 : index
    %swap3A_114 = tpu.vector_load %arg7[%swap3A_112, %swap3A_113] {strides = array<i32>} : memref<128x128xf32, #tpu.memory_space<vmem>>, vector<1x16xf32>,
    %swap3A_115 = vector.shape_cast %swap3A_114 : vector<1x16xf32> to vector<16xf32>
    %swap3A_116 = vector.shape_cast %scan3A_74#6 : vector<16xf32> to vector<1x16xf32>
    tpu.vector_store %arg7[%swap3A_112, %swap3A_113], %swap3A_116 {strides = array<i32>} : memref<128x128xf32, #tpu.memory_space<vmem>>, vector<1x16xf32>,
    %swap3A_117 = arith.constant 126 : i32
    %swap3A_118 = arith.index_cast %swap3A_117 : i32 to index
    %swap3A_119 = arith.constant 112 : index
    %swap3A_120 = tpu.vector_load %arg7[%swap3A_118, %swap3A_119] {strides = array<i32>} : memref<128x128xf32, #tpu.memory_space<vmem>>, vector<1x16xf32>,
    %swap3A_121 = vector.shape_cast %swap3A_120 : vector<1x16xf32> to vector<16xf32>
    %swap3A_122 = vector.shape_cast %scan3A_74#7 : vector<16xf32> to vector<1x16xf32>
    tpu.vector_store %arg7[%swap3A_118, %swap3A_119], %swap3A_122 {strides = array<i32>} : memref<128x128xf32, #tpu.memory_space<vmem>>, vector<1x16xf32>,
    %dma_wait3A_123 = arith.constant 1 : i32
    %dma_wait3A_124 = arith.constant 0 : i32
    %dma_wait3A_125 = arith.constant 0 : i32
    %dma_wait3A_126 = tpu.memref_slice %arg6[%dma_wait3A_123, %dma_wait3A_124, %dma_wait3A_125] : memref<3x200x128xf32, #tpu.memory_space<vmem>> -> memref<1x200x128xf32, #tpu.memory_space<vmem>>
    %dma_wait3A_127 = tpu.memref_squeeze %dma_wait3A_126 : memref<1x200x128xf32, #tpu.memory_space<vmem>> -> memref<200x128xf32, #tpu.memory_space<vmem>>
    %dma_wait3A_128 = arith.constant 0 : i32
    %dma_wait3A_129 = arith.constant 0 : i32
    %dma_wait3A_130 = tpu.memref_slice %arg3[%dma_wait3A_128, %dma_wait3A_129] : memref<100000x128xf32, #tpu.memory_space<hbm>> -> memref<200x128xf32, #tpu.memory_space<hbm>>
    %dma_wait3A_131 = arith.constant 0 : i32
    %dma_wait3A_132 = arith.constant 0 : i32
    %dma_wait3A_133 = tpu.memref_slice %arg6[%dma_wait3A_123, %dma_wait3A_131, %dma_wait3A_132] : memref<3x200x128xf32, #tpu.memory_space<vmem>> -> memref<1x200x128xf32, #tpu.memory_space<vmem>>
    %dma_wait3A_134 = tpu.memref_squeeze %dma_wait3A_133 : memref<1x200x128xf32, #tpu.memory_space<vmem>> -> memref<200x128xf32, #tpu.memory_space<vmem>>
    %dma_wait3A_135 = arith.constant 0 : i32
    %dma_wait3A_136 = arith.constant 0 : i32
    %dma_wait3A_137 = tpu.memref_slice %arg3[%dma_wait3A_135, %dma_wait3A_136] : memref<100000x128xf32, #tpu.memory_space<hbm>> -> memref<200x128xf32, #tpu.memory_space<hbm>>
    tpu.wait_dma2 semaphore(%arg9 : memref<!tpu.dma_semaphore, #tpu.memory_space<semaphore_mem>>) src(%dma_wait3A_137 : memref<200x128xf32, #tpu.memory_space<hbm>>) dst(%dma_wait3A_134 : memref<200x128xf32, #tpu.memory_space<vmem>>)
    %broadcast_in_dim3A_138 = arith.constant 0.000000e+00 : f32
    %broadcast_in_dim3A_139 = vector.broadcast %broadcast_in_dim3A_138 : f32 to vector<16xf32>
    %scan3A_140 = arith.constant 0 : i32
    %scan3A_141 = arith.constant 200 : i32
    %scan3A_142 = arith.addi %scan3A_140, %scan3A_141 : i32
    %scan3A_143 = arith.constant 4 : i32
    %scan3A_144:8 = scf.for %scan3A_194 = %scan3A_140 to %scan3A_142 step %scan3A_143 iter_args(%scan3A_195 = %broadcast_in_dim3A_139, %scan3A_196 = %broadcast_in_dim3A_139, %scan3A_197 = %broadcast_in_dim3A_139, %scan3A_198 = %broadcast_in_dim3A_139, %scan3A_199 = %broadcast_in_dim3A_139, %scan3A_200 = %broadcast_in_dim3A_139, %scan3A_201 = %broadcast_in_dim3A_139, %scan3A_202 = %broadcast_in_dim3A_139) -> (vector<16xf32>, vector<16xf32>, vector<16xf32>, vector<16xf32>, vector<16xf32>, vector<16xf32>, vector<16xf32>, vector<16xf32>)  : i32 {
      %get3A = arith.constant 1 : i32
      %get3A_203 = arith.index_cast %get3A : i32 to index
      %get3A_204 = arith.index_cast %scan3A_194 : i32 to index
      %get3A_205 = arith.constant 0 : index
      %get3A_206 = tpu.vector_load %arg6[%get3A_203, %get3A_204, %get3A_205] {strides = array<i32>} : memref<3x200x128xf32, #tpu.memory_space<vmem>>, vector<1x1x16xf32>,
      %get3A_207 = vector.shape_cast %get3A_206 : vector<1x1x16xf32> to vector<16xf32>
      %add3A_208 = arith.addf %scan3A_195, %get3A_207 : vector<16xf32>
      %get3A_209 = arith.constant 1 : i32
      %get3A_210 = arith.index_cast %get3A_209 : i32 to index
      %get3A_211 = arith.index_cast %scan3A_194 : i32 to index
      %get3A_212 = arith.constant 16 : index
      %get3A_213 = tpu.vector_load %arg6[%get3A_210, %get3A_211, %get3A_212] {strides = array<i32>} : memref<3x200x128xf32, #tpu.memory_space<vmem>>, vector<1x1x16xf32>,
      %get3A_214 = vector.shape_cast %get3A_213 : vector<1x1x16xf32> to vector<16xf32>
      %add3A_215 = arith.addf %scan3A_196, %get3A_214 : vector<16xf32>
      %get3A_216 = arith.constant 1 : i32
      %get3A_217 = arith.index_cast %get3A_216 : i32 to index
      %get3A_218 = arith.index_cast %scan3A_194 : i32 to index
      %get3A_219 = arith.constant 32 : index
      %get3A_220 = tpu.vector_load %arg6[%get3A_217, %get3A_218, %get3A_219] {strides = array<i32>} : memref<3x200x128xf32, #tpu.memory_space<vmem>>, vector<1x1x16xf32>,
      %get3A_221 = vector.shape_cast %get3A_220 : vector<1x1x16xf32> to vector<16xf32>
      %add3A_222 = arith.addf %scan3A_197, %get3A_221 : vector<16xf32>
      %get3A_223 = arith.constant 1 : i32
      %get3A_224 = arith.index_cast %get3A_223 : i32 to index
      %get3A_225 = arith.index_cast %scan3A_194 : i32 to index
      %get3A_226 = arith.constant 48 : index
      %get3A_227 = tpu.vector_load %arg6[%get3A_224, %get3A_225, %get3A_226] {strides = array<i32>} : memref<3x200x128xf32, #tpu.memory_space<vmem>>, vector<1x1x16xf32>,
      %get3A_228 = vector.shape_cast %get3A_227 : vector<1x1x16xf32> to vector<16xf32>
      %add3A_229 = arith.addf %scan3A_198, %get3A_228 : vector<16xf32>
      %get3A_230 = arith.constant 1 : i32
      %get3A_231 = arith.index_cast %get3A_230 : i32 to index
      %get3A_232 = arith.index_cast %scan3A_194 : i32 to index
      %get3A_233 = arith.constant 64 : index
      %get3A_234 = tpu.vector_load %arg6[%get3A_231, %get3A_232, %get3A_233] {strides = array<i32>} : memref<3x200x128xf32, #tpu.memory_space<vmem>>, vector<1x1x16xf32>,
      %get3A_235 = vector.shape_cast %get3A_234 : vector<1x1x16xf32> to vector<16xf32>
      %add3A_236 = arith.addf %scan3A_199, %get3A_235 : vector<16xf32>
      %get3A_237 = arith.constant 1 : i32
      %get3A_238 = arith.index_cast %get3A_237 : i32 to index
      %get3A_239 = arith.index_cast %scan3A_194 : i32 to index
      %get3A_240 = arith.constant 80 : index
      %get3A_241 = tpu.vector_load %arg6[%get3A_238, %get3A_239, %get3A_240] {strides = array<i32>} : memref<3x200x128xf32, #tpu.memory_space<vmem>>, vector<1x1x16xf32>,
      %get3A_242 = vector.shape_cast %get3A_241 : vector<1x1x16xf32> to vector<16xf32>
      %add3A_243 = arith.addf %scan3A_200, %get3A_242 : vector<16xf32>
      %get3A_244 = arith.constant 1 : i32
      %get3A_245 = arith.index_cast %get3A_244 : i32 to index
      %get3A_246 = arith.index_cast %scan3A_194 : i32 to index
      %get3A_247 = arith.constant 96 : index
      %get3A_248 = tpu.vector_load %arg6[%get3A_245, %get3A_246, %get3A_247] {strides = array<i32>} : memref<3x200x128xf32, #tpu.memory_space<vmem>>, vector<1x1x16xf32>,
      %get3A_249 = vector.shape_cast %get3A_248 : vector<1x1x16xf32> to vector<16xf32>
      %add3A_250 = arith.addf %scan3A_201, %get3A_249 : vector<16xf32>
      %get3A_251 = arith.constant 1 : i32
      %get3A_252 = arith.index_cast %get3A_251 : i32 to index
      %get3A_253 = arith.index_cast %scan3A_194 : i32 to index
      %get3A_254 = arith.constant 112 : index
      %get3A_255 = tpu.vector_load %arg6[%get3A_252, %get3A_253, %get3A_254] {strides = array<i32>} : memref<3x200x128xf32, #tpu.memory_space<vmem>>, vector<1x1x16xf32>,
      %get3A_256 = vector.shape_cast %get3A_255 : vector<1x1x16xf32> to vector<16xf32>
      %add3A_257 = arith.addf %scan3A_202, %get3A_256 : vector<16xf32>
      %scan3A_258 = arith.constant 1 : i32
      %scan3A_259 = arith.addi %scan3A_194, %scan3A_258 : i32
      %get3A_260 = arith.constant 1 : i32
      %get3A_261 = arith.index_cast %get3A_260 : i32 to index
      %get3A_262 = arith.index_cast %scan3A_259 : i32 to index
      %get3A_263 = arith.constant 0 : index
      %get3A_264 = tpu.vector_load %arg6[%get3A_261, %get3A_262, %get3A_263] {strides = array<i32>} : memref<3x200x128xf32, #tpu.memory_space<vmem>>, vector<1x1x16xf32>,
      %get3A_265 = vector.shape_cast %get3A_264 : vector<1x1x16xf32> to vector<16xf32>
      %add3A_266 = arith.addf %add3A_208, %get3A_265 : vector<16xf32>
      %get3A_267 = arith.constant 1 : i32
      %get3A_268 = arith.index_cast %get3A_267 : i32 to index
      %get3A_269 = arith.index_cast %scan3A_259 : i32 to index
      %get3A_270 = arith.constant 16 : index
      %get3A_271 = tpu.vector_load %arg6[%get3A_268, %get3A_269, %get3A_270] {strides = array<i32>} : memref<3x200x128xf32, #tpu.memory_space<vmem>>, vector<1x1x16xf32>,
      %get3A_272 = vector.shape_cast %get3A_271 : vector<1x1x16xf32> to vector<16xf32>
      %add3A_273 = arith.addf %add3A_215, %get3A_272 : vector<16xf32>
      %get3A_274 = arith.constant 1 : i32
      %get3A_275 = arith.index_cast %get3A_274 : i32 to index
      %get3A_276 = arith.index_cast %scan3A_259 : i32 to index
      %get3A_277 = arith.constant 32 : index
      %get3A_278 = tpu.vector_load %arg6[%get3A_275, %get3A_276, %get3A_277] {strides = array<i32>} : memref<3x200x128xf32, #tpu.memory_space<vmem>>, vector<1x1x16xf32>,
      %get3A_279 = vector.shape_cast %get3A_278 : vector<1x1x16xf32> to vector<16xf32>
      %add3A_280 = arith.addf %add3A_222, %get3A_279 : vector<16xf32>
      %get3A_281 = arith.constant 1 : i32
      %get3A_282 = arith.index_cast %get3A_281 : i32 to index
      %get3A_283 = arith.index_cast %scan3A_259 : i32 to index
      %get3A_284 = arith.constant 48 : index
      %get3A_285 = tpu.vector_load %arg6[%get3A_282, %get3A_283, %get3A_284] {strides = array<i32>} : memref<3x200x128xf32, #tpu.memory_space<vmem>>, vector<1x1x16xf32>,
      %get3A_286 = vector.shape_cast %get3A_285 : vector<1x1x16xf32> to vector<16xf32>
      %add3A_287 = arith.addf %add3A_229, %get3A_286 : vector<16xf32>
      %get3A_288 = arith.constant 1 : i32
      %get3A_289 = arith.index_cast %get3A_288 : i32 to index
      %get3A_290 = arith.index_cast %scan3A_259 : i32 to index
      %get3A_291 = arith.constant 64 : index
      %get3A_292 = tpu.vector_load %arg6[%get3A_289, %get3A_290, %get3A_291] {strides = array<i32>} : memref<3x200x128xf32, #tpu.memory_space<vmem>>, vector<1x1x16xf32>,
      %get3A_293 = vector.shape_cast %get3A_292 : vector<1x1x16xf32> to vector<16xf32>
      %add3A_294 = arith.addf %add3A_236, %get3A_293 : vector<16xf32>
      %get3A_295 = arith.constant 1 : i32
      %get3A_296 = arith.index_cast %get3A_295 : i32 to index
      %get3A_297 = arith.index_cast %scan3A_259 : i32 to index
      %get3A_298 = arith.constant 80 : index
      %get3A_299 = tpu.vector_load %arg6[%get3A_296, %get3A_297, %get3A_298] {strides = array<i32>} : memref<3x200x128xf32, #tpu.memory_space<vmem>>, vector<1x1x16xf32>,
      %get3A_300 = vector.shape_cast %get3A_299 : vector<1x1x16xf32> to vector<16xf32>
      %add3A_301 = arith.addf %add3A_243, %get3A_300 : vector<16xf32>
      %get3A_302 = arith.constant 1 : i32
      %get3A_303 = arith.index_cast %get3A_302 : i32 to index
      %get3A_304 = arith.index_cast %scan3A_259 : i32 to index
      %get3A_305 = arith.constant 96 : index
      %get3A_306 = tpu.vector_load %arg6[%get3A_303, %get3A_304, %get3A_305] {strides = array<i32>} : memref<3x200x128xf32, #tpu.memory_space<vmem>>, vector<1x1x16xf32>,
      %get3A_307 = vector.shape_cast %get3A_306 : vector<1x1x16xf32> to vector<16xf32>
      %add3A_308 = arith.addf %add3A_250, %get3A_307 : vector<16xf32>
      %get3A_309 = arith.constant 1 : i32
      %get3A_310 = arith.index_cast %get3A_309 : i32 to index
      %get3A_311 = arith.index_cast %scan3A_259 : i32 to index
      %get3A_312 = arith.constant 112 : index
      %get3A_313 = tpu.vector_load %arg6[%get3A_310, %get3A_311, %get3A_312] {strides = array<i32>} : memref<3x200x128xf32, #tpu.memory_space<vmem>>, vector<1x1x16xf32>,
      %get3A_314 = vector.shape_cast %get3A_313 : vector<1x1x16xf32> to vector<16xf32>
      %add3A_315 = arith.addf %add3A_257, %get3A_314 : vector<16xf32>
      %scan3A_316 = arith.constant 2 : i32
      %scan3A_317 = arith.addi %scan3A_194, %scan3A_316 : i32
      %get3A_318 = arith.constant 1 : i32
      %get3A_319 = arith.index_cast %get3A_318 : i32 to index
      %get3A_320 = arith.index_cast %scan3A_317 : i32 to index
      %get3A_321 = arith.constant 0 : index
      %get3A_322 = tpu.vector_load %arg6[%get3A_319, %get3A_320, %get3A_321] {strides = array<i32>} : memref<3x200x128xf32, #tpu.memory_space<vmem>>, vector<1x1x16xf32>,
      %get3A_323 = vector.shape_cast %get3A_322 : vector<1x1x16xf32> to vector<16xf32>
      %add3A_324 = arith.addf %add3A_266, %get3A_323 : vector<16xf32>
      %get3A_325 = arith.constant 1 : i32
      %get3A_326 = arith.index_cast %get3A_325 : i32 to index
      %get3A_327 = arith.index_cast %scan3A_317 : i32 to index
      %get3A_328 = arith.constant 16 : index
      %get3A_329 = tpu.vector_load %arg6[%get3A_326, %get3A_327, %get3A_328] {strides = array<i32>} : memref<3x200x128xf32, #tpu.memory_space<vmem>>, vector<1x1x16xf32>,
      %get3A_330 = vector.shape_cast %get3A_329 : vector<1x1x16xf32> to vector<16xf32>
      %add3A_331 = arith.addf %add3A_273, %get3A_330 : vector<16xf32>
      %get3A_332 = arith.constant 1 : i32
      %get3A_333 = arith.index_cast %get3A_332 : i32 to index
      %get3A_334 = arith.index_cast %scan3A_317 : i32 to index
      %get3A_335 = arith.constant 32 : index
      %get3A_336 = tpu.vector_load %arg6[%get3A_333, %get3A_334, %get3A_335] {strides = array<i32>} : memref<3x200x128xf32, #tpu.memory_space<vmem>>, vector<1x1x16xf32>,
      %get3A_337 = vector.shape_cast %get3A_336 : vector<1x1x16xf32> to vector<16xf32>
      %add3A_338 = arith.addf %add3A_280, %get3A_337 : vector<16xf32>
      %get3A_339 = arith.constant 1 : i32
      %get3A_340 = arith.index_cast %get3A_339 : i32 to index
      %get3A_341 = arith.index_cast %scan3A_317 : i32 to index
      %get3A_342 = arith.constant 48 : index
      %get3A_343 = tpu.vector_load %arg6[%get3A_340, %get3A_341, %get3A_342] {strides = array<i32>} : memref<3x200x128xf32, #tpu.memory_space<vmem>>, vector<1x1x16xf32>,
      %get3A_344 = vector.shape_cast %get3A_343 : vector<1x1x16xf32> to vector<16xf32>
      %add3A_345 = arith.addf %add3A_287, %get3A_344 : vector<16xf32>
      %get3A_346 = arith.constant 1 : i32
      %get3A_347 = arith.index_cast %get3A_346 : i32 to index
      %get3A_348 = arith.index_cast %scan3A_317 : i32 to index
      %get3A_349 = arith.constant 64 : index
      %get3A_350 = tpu.vector_load %arg6[%get3A_347, %get3A_348, %get3A_349] {strides = array<i32>} : memref<3x200x128xf32, #tpu.memory_space<vmem>>, vector<1x1x16xf32>,
      %get3A_351 = vector.shape_cast %get3A_350 : vector<1x1x16xf32> to vector<16xf32>
      %add3A_352 = arith.addf %add3A_294, %get3A_351 : vector<16xf32>
      %get3A_353 = arith.constant 1 : i32
      %get3A_354 = arith.index_cast %get3A_353 : i32 to index
      %get3A_355 = arith.index_cast %scan3A_317 : i32 to index
      %get3A_356 = arith.constant 80 : index
      %get3A_357 = tpu.vector_load %arg6[%get3A_354, %get3A_355, %get3A_356] {strides = array<i32>} : memref<3x200x128xf32, #tpu.memory_space<vmem>>, vector<1x1x16xf32>,
      %get3A_358 = vector.shape_cast %get3A_357 : vector<1x1x16xf32> to vector<16xf32>
      %add3A_359 = arith.addf %add3A_301, %get3A_358 : vector<16xf32>
      %get3A_360 = arith.constant 1 : i32
      %get3A_361 = arith.index_cast %get3A_360 : i32 to index
      %get3A_362 = arith.index_cast %scan3A_317 : i32 to index
      %get3A_363 = arith.constant 96 : index
      %get3A_364 = tpu.vector_load %arg6[%get3A_361, %get3A_362, %get3A_363] {strides = array<i32>} : memref<3x200x128xf32, #tpu.memory_space<vmem>>, vector<1x1x16xf32>,
      %get3A_365 = vector.shape_cast %get3A_364 : vector<1x1x16xf32> to vector<16xf32>
      %add3A_366 = arith.addf %add3A_308, %get3A_365 : vector<16xf32>
      %get3A_367 = arith.constant 1 : i32
      %get3A_368 = arith.index_cast %get3A_367 : i32 to index
      %get3A_369 = arith.index_cast %scan3A_317 : i32 to index
      %get3A_370 = arith.constant 112 : index
      %get3A_371 = tpu.vector_load %arg6[%get3A_368, %get3A_369, %get3A_370] {strides = array<i32>} : memref<3x200x128xf32, #tpu.memory_space<vmem>>, vector<1x1x16xf32>,
      %get3A_372 = vector.shape_cast %get3A_371 : vector<1x1x16xf32> to vector<16xf32>
      %add3A_373 = arith.addf %add3A_315, %get3A_372 : vector<16xf32>
      %scan3A_374 = arith.constant 3 : i32
      %scan3A_375 = arith.addi %scan3A_194, %scan3A_374 : i32
      %get3A_376 = arith.constant 1 : i32
      %get3A_377 = arith.index_cast %get3A_376 : i32 to index
      %get3A_378 = arith.index_cast %scan3A_375 : i32 to index
      %get3A_379 = arith.constant 0 : index
      %get3A_380 = tpu.vector_load %arg6[%get3A_377, %get3A_378, %get3A_379] {strides = array<i32>} : memref<3x200x128xf32, #tpu.memory_space<vmem>>, vector<1x1x16xf32>,
      %get3A_381 = vector.shape_cast %get3A_380 : vector<1x1x16xf32> to vector<16xf32>
      %add3A_382 = arith.addf %add3A_324, %get3A_381 : vector<16xf32>
      %get3A_383 = arith.constant 1 : i32
      %get3A_384 = arith.index_cast %get3A_383 : i32 to index
      %get3A_385 = arith.index_cast %scan3A_375 : i32 to index
      %get3A_386 = arith.constant 16 : index
      %get3A_387 = tpu.vector_load %arg6[%get3A_384, %get3A_385, %get3A_386] {strides = array<i32>} : memref<3x200x128xf32, #tpu.memory_space<vmem>>, vector<1x1x16xf32>,
      %get3A_388 = vector.shape_cast %get3A_387 : vector<1x1x16xf32> to vector<16xf32>
      %add3A_389 = arith.addf %add3A_331, %get3A_388 : vector<16xf32>
      %get3A_390 = arith.constant 1 : i32
      %get3A_391 = arith.index_cast %get3A_390 : i32 to index
      %get3A_392 = arith.index_cast %scan3A_375 : i32 to index
      %get3A_393 = arith.constant 32 : index
      %get3A_394 = tpu.vector_load %arg6[%get3A_391, %get3A_392, %get3A_393] {strides = array<i32>} : memref<3x200x128xf32, #tpu.memory_space<vmem>>, vector<1x1x16xf32>,
      %get3A_395 = vector.shape_cast %get3A_394 : vector<1x1x16xf32> to vector<16xf32>
      %add3A_396 = arith.addf %add3A_338, %get3A_395 : vector<16xf32>
      %get3A_397 = arith.constant 1 : i32
      %get3A_398 = arith.index_cast %get3A_397 : i32 to index
      %get3A_399 = arith.index_cast %scan3A_375 : i32 to index
      %get3A_400 = arith.constant 48 : index
      %get3A_401 = tpu.vector_load %arg6[%get3A_398, %get3A_399, %get3A_400] {strides = array<i32>} : memref<3x200x128xf32, #tpu.memory_space<vmem>>, vector<1x1x16xf32>,
      %get3A_402 = vector.shape_cast %get3A_401 : vector<1x1x16xf32> to vector<16xf32>
      %add3A_403 = arith.addf %add3A_345, %get3A_402 : vector<16xf32>
      %get3A_404 = arith.constant 1 : i32
      %get3A_405 = arith.index_cast %get3A_404 : i32 to index
      %get3A_406 = arith.index_cast %scan3A_375 : i32 to index
      %get3A_407 = arith.constant 64 : index
      %get3A_408 = tpu.vector_load %arg6[%get3A_405, %get3A_406, %get3A_407] {strides = array<i32>} : memref<3x200x128xf32, #tpu.memory_space<vmem>>, vector<1x1x16xf32>,
      %get3A_409 = vector.shape_cast %get3A_408 : vector<1x1x16xf32> to vector<16xf32>
      %add3A_410 = arith.addf %add3A_352, %get3A_409 : vector<16xf32>
      %get3A_411 = arith.constant 1 : i32
      %get3A_412 = arith.index_cast %get3A_411 : i32 to index
      %get3A_413 = arith.index_cast %scan3A_375 : i32 to index
      %get3A_414 = arith.constant 80 : index
      %get3A_415 = tpu.vector_load %arg6[%get3A_412, %get3A_413, %get3A_414] {strides = array<i32>} : memref<3x200x128xf32, #tpu.memory_space<vmem>>, vector<1x1x16xf32>,
      %get3A_416 = vector.shape_cast %get3A_415 : vector<1x1x16xf32> to vector<16xf32>
      %add3A_417 = arith.addf %add3A_359, %get3A_416 : vector<16xf32>
      %get3A_418 = arith.constant 1 : i32
      %get3A_419 = arith.index_cast %get3A_418 : i32 to index
      %get3A_420 = arith.index_cast %scan3A_375 : i32 to index
      %get3A_421 = arith.constant 96 : index
      %get3A_422 = tpu.vector_load %arg6[%get3A_419, %get3A_420, %get3A_421] {strides = array<i32>} : memref<3x200x128xf32, #tpu.memory_space<vmem>>, vector<1x1x16xf32>,
      %get3A_423 = vector.shape_cast %get3A_422 : vector<1x1x16xf32> to vector<16xf32>
      %add3A_424 = arith.addf %add3A_366, %get3A_423 : vector<16xf32>
      %get3A_425 = arith.constant 1 : i32
      %get3A_426 = arith.index_cast %get3A_425 : i32 to index
      %get3A_427 = arith.index_cast %scan3A_375 : i32 to index
      %get3A_428 = arith.constant 112 : index
      %get3A_429 = tpu.vector_load %arg6[%get3A_426, %get3A_427, %get3A_428] {strides = array<i32>} : memref<3x200x128xf32, #tpu.memory_space<vmem>>, vector<1x1x16xf32>,
      %get3A_430 = vector.shape_cast %get3A_429 : vector<1x1x16xf32> to vector<16xf32>
      %add3A_431 = arith.addf %add3A_373, %get3A_430 : vector<16xf32>
      scf.yield %add3A_382, %add3A_389, %add3A_396, %add3A_403, %add3A_410, %add3A_417, %add3A_424, %add3A_431 : vector<16xf32>, vector<16xf32>, vector<16xf32>, vector<16xf32>, vector<16xf32>, vector<16xf32>, vector<16xf32>, vector<16xf32>
    }
    %scan3A_145 = arith.constant 200 : i32
    %swap3A_146 = arith.constant 127 : i32
    %swap3A_147 = arith.index_cast %swap3A_146 : i32 to index
    %swap3A_148 = arith.constant 0 : index
    %swap3A_149 = tpu.vector_load %arg7[%swap3A_147, %swap3A_148] {strides = array<i32>} : memref<128x128xf32, #tpu.memory_space<vmem>>, vector<1x16xf32>,
    %swap3A_150 = vector.shape_cast %swap3A_149 : vector<1x16xf32> to vector<16xf32>
    %swap3A_151 = vector.shape_cast %scan3A_144#0 : vector<16xf32> to vector<1x16xf32>
    tpu.vector_store %arg7[%swap3A_147, %swap3A_148], %swap3A_151 {strides = array<i32>} : memref<128x128xf32, #tpu.memory_space<vmem>>, vector<1x16xf32>,
    %swap3A_152 = arith.constant 127 : i32
    %swap3A_153 = arith.index_cast %swap3A_152 : i32 to index
    %swap3A_154 = arith.constant 16 : index
    %swap3A_155 = tpu.vector_load %arg7[%swap3A_153, %swap3A_154] {strides = array<i32>} : memref<128x128xf32, #tpu.memory_space<vmem>>, vector<1x16xf32>,
    %swap3A_156 = vector.shape_cast %swap3A_155 : vector<1x16xf32> to vector<16xf32>
    %swap3A_157 = vector.shape_cast %scan3A_144#1 : vector<16xf32> to vector<1x16xf32>
    tpu.vector_store %arg7[%swap3A_153, %swap3A_154], %swap3A_157 {strides = array<i32>} : memref<128x128xf32, #tpu.memory_space<vmem>>, vector<1x16xf32>,
    %swap3A_158 = arith.constant 127 : i32
    %swap3A_159 = arith.index_cast %swap3A_158 : i32 to index
    %swap3A_160 = arith.constant 32 : index
    %swap3A_161 = tpu.vector_load %arg7[%swap3A_159, %swap3A_160] {strides = array<i32>} : memref<128x128xf32, #tpu.memory_space<vmem>>, vector<1x16xf32>,
    %swap3A_162 = vector.shape_cast %swap3A_161 : vector<1x16xf32> to vector<16xf32>
    %swap3A_163 = vector.shape_cast %scan3A_144#2 : vector<16xf32> to vector<1x16xf32>
    tpu.vector_store %arg7[%swap3A_159, %swap3A_160], %swap3A_163 {strides = array<i32>} : memref<128x128xf32, #tpu.memory_space<vmem>>, vector<1x16xf32>,
    %swap3A_164 = arith.constant 127 : i32
    %swap3A_165 = arith.index_cast %swap3A_164 : i32 to index
    %swap3A_166 = arith.constant 48 : index
    %swap3A_167 = tpu.vector_load %arg7[%swap3A_165, %swap3A_166] {strides = array<i32>} : memref<128x128xf32, #tpu.memory_space<vmem>>, vector<1x16xf32>,
    %swap3A_168 = vector.shape_cast %swap3A_167 : vector<1x16xf32> to vector<16xf32>
    %swap3A_169 = vector.shape_cast %scan3A_144#3 : vector<16xf32> to vector<1x16xf32>
    tpu.vector_store %arg7[%swap3A_165, %swap3A_166], %swap3A_169 {strides = array<i32>} : memref<128x128xf32, #tpu.memory_space<vmem>>, vector<1x16xf32>,
    %swap3A_170 = arith.constant 127 : i32
    %swap3A_171 = arith.index_cast %swap3A_170 : i32 to index
    %swap3A_172 = arith.constant 64 : index
    %swap3A_173 = tpu.vector_load %arg7[%swap3A_171, %swap3A_172] {strides = array<i32>} : memref<128x128xf32, #tpu.memory_space<vmem>>, vector<1x16xf32>,
    %swap3A_174 = vector.shape_cast %swap3A_173 : vector<1x16xf32> to vector<16xf32>
    %swap3A_175 = vector.shape_cast %scan3A_144#4 : vector<16xf32> to vector<1x16xf32>
    tpu.vector_store %arg7[%swap3A_171, %swap3A_172], %swap3A_175 {strides = array<i32>} : memref<128x128xf32, #tpu.memory_space<vmem>>, vector<1x16xf32>,
    %swap3A_176 = arith.constant 127 : i32
    %swap3A_177 = arith.index_cast %swap3A_176 : i32 to index
    %swap3A_178 = arith.constant 80 : index
    %swap3A_179 = tpu.vector_load %arg7[%swap3A_177, %swap3A_178] {strides = array<i32>} : memref<128x128xf32, #tpu.memory_space<vmem>>, vector<1x16xf32>,
    %swap3A_180 = vector.shape_cast %swap3A_179 : vector<1x16xf32> to vector<16xf32>
    %swap3A_181 = vector.shape_cast %scan3A_144#5 : vector<16xf32> to vector<1x16xf32>
    tpu.vector_store %arg7[%swap3A_177, %swap3A_178], %swap3A_181 {strides = array<i32>} : memref<128x128xf32, #tpu.memory_space<vmem>>, vector<1x16xf32>,
    %swap3A_182 = arith.constant 127 : i32
    %swap3A_183 = arith.index_cast %swap3A_182 : i32 to index
    %swap3A_184 = arith.constant 96 : index
    %swap3A_185 = tpu.vector_load %arg7[%swap3A_183, %swap3A_184] {strides = array<i32>} : memref<128x128xf32, #tpu.memory_space<vmem>>, vector<1x16xf32>,
    %swap3A_186 = vector.shape_cast %swap3A_185 : vector<1x16xf32> to vector<16xf32>
    %swap3A_187 = vector.shape_cast %scan3A_144#6 : vector<16xf32> to vector<1x16xf32>
    tpu.vector_store %arg7[%swap3A_183, %swap3A_184], %swap3A_187 {strides = array<i32>} : memref<128x128xf32, #tpu.memory_space<vmem>>, vector<1x16xf32>,
    %swap3A_188 = arith.constant 127 : i32
    %swap3A_189 = arith.index_cast %swap3A_188 : i32 to index
    %swap3A_190 = arith.constant 112 : index
    %swap3A_191 = tpu.vector_load %arg7[%swap3A_189, %swap3A_190] {strides = array<i32>} : memref<128x128xf32, #tpu.memory_space<vmem>>, vector<1x16xf32>,
    %swap3A_192 = vector.shape_cast %swap3A_191 : vector<1x16xf32> to vector<16xf32>
    %swap3A_193 = vector.shape_cast %scan3A_144#7 : vector<16xf32> to vector<1x16xf32>
    tpu.vector_store %arg7[%swap3A_189, %swap3A_190], %swap3A_193 {strides = array<i32>} : memref<128x128xf32, #tpu.memory_space<vmem>>, vector<1x16xf32>,
    "tpu.region"() ({
      %run_scoped3A = tpu.sem_alloc : memref<!tpu.dma_semaphore, #tpu.memory_space<semaphore_mem>>
      %dma_start3A_194 = arith.constant 0 : i32
      %dma_start3A_195 = tpu.memref_slice %arg4[%mul3A_2, %dma_start3A_194] : memref<4096x128xf32, #tpu.memory_space<hbm>> -> memref<128x128xf32, #tpu.memory_space<hbm>>
      %dma_start3A_196 = arith.constant 0 : i32
      %dma_start3A_197 = tpu.memref_slice %arg4[%mul3A_2, %dma_start3A_196] : memref<4096x128xf32, #tpu.memory_space<hbm>> -> memref<128x128xf32, #tpu.memory_space<hbm>>
      tpu.enqueue_dma source(%arg7 : memref<128x128xf32, #tpu.memory_space<vmem>>) target(%dma_start3A_197 : memref<128x128xf32, #tpu.memory_space<hbm>>) target_semaphore(%run_scoped3A : memref<!tpu.dma_semaphore, #tpu.memory_space<semaphore_mem>>)
      %dma_wait3A_198 = arith.constant 0 : i32
      %dma_wait3A_199 = tpu.memref_slice %arg4[%mul3A_2, %dma_wait3A_198] : memref<4096x128xf32, #tpu.memory_space<hbm>> -> memref<128x128xf32, #tpu.memory_space<hbm>>
      %dma_wait3A_200 = arith.constant 0 : i32
      %dma_wait3A_201 = tpu.memref_slice %arg4[%mul3A_2, %dma_wait3A_200] : memref<4096x128xf32, #tpu.memory_space<hbm>> -> memref<128x128xf32, #tpu.memory_space<hbm>>
      tpu.wait_dma2 semaphore(%run_scoped3A : memref<!tpu.dma_semaphore, #tpu.memory_space<semaphore_mem>>) src(%arg7 : memref<128x128xf32, #tpu.memory_space<vmem>>) dst(%dma_wait3A_201 : memref<128x128xf32, #tpu.memory_space<hbm>>)
      tpu.yield
    }) : () -> ()
    return
  }
}

module attributes {stable_mosaic.version = 14 : i64} {
  func.func @_fc_body(%arg0: i32, %arg1: memref<512x128xf32, #tpu.memory_space<vmem>>, %arg2: memref<128x128xf32, #tpu.memory_space<vmem>>, %arg3: memref<1x128xf32, #tpu.memory_space<vmem>>, %arg4: memref<512x128xf32, #tpu.memory_space<vmem>>) attributes {dimension_semantics = [#tpu.dimension_semantics<arbitrary>], iteration_bounds = array<i64: 8>, scalar_prefetch = 0 : i64, scratch_operands = 0 : i64, tpu.core_type = #tpu.core_type<tc>, window_params = [{transform_indices = @transform_0, window_bounds = array<i64: 512, 128>}, {pipeline_mode = #tpu.pipeline_mode<synchronous>, transform_indices = @transform_1, window_bounds = array<i64: 128, 128>}, {pipeline_mode = #tpu.pipeline_mode<synchronous>, transform_indices = @transform_2, window_bounds = array<i64: 1, 128>}, {transform_indices = @transform_3, window_bounds = array<i64: 512, 128>}]} {
    %get3A = arith.constant 0 : index
    %get3A_0 = arith.constant 0 : index
    %get3A_1 = vector.load %arg1[%get3A, %get3A_0] : memref<512x128xf32, #tpu.memory_space<vmem>>, vector<512x128xf32>
    %get3A_2 = arith.constant 0 : index
    %get3A_3 = arith.constant 0 : index
    %get3A_4 = vector.load %arg2[%get3A_2, %get3A_3] : memref<128x128xf32, #tpu.memory_space<vmem>>, vector<128x128xf32>
    %dot_general3A = arith.constant dense<0.000000e+00> : vector<512x128xf32>
    %dot_general3A_5 = tpu.matmul %get3A_1, %get3A_4, %dot_general3A {dimension_numbers = #tpu.dot_dimension_numbers<[1], [1], [0], [0], [0, 0, 1, 0], [], []>, transpose_lhs_hint = false} : vector<512x128xf32>, vector<128x128xf32>, vector<512x128xf32> -> vector<512x128xf32>
    %get3A_6 = arith.constant 0 : index
    %get3A_7 = arith.constant 0 : index
    %get3A_8 = vector.load %arg3[%get3A_6, %get3A_7] : memref<1x128xf32, #tpu.memory_space<vmem>>, vector<1x128xf32>
    %add3A = vector.broadcast %get3A_8 : vector<1x128xf32> to vector<512x128xf32>
    %add3A_9 = arith.addf %dot_general3A_5, %add3A : vector<512x128xf32>
    %swap3A = arith.constant 0 : index
    %swap3A_10 = arith.constant 0 : index
    %swap3A_11 = vector.load %arg4[%swap3A, %swap3A_10] : memref<512x128xf32, #tpu.memory_space<vmem>>, vector<512x128xf32>
    tpu.vector_store %arg4[%swap3A, %swap3A_10], %add3A_9 {strides = array<i32>} : memref<512x128xf32, #tpu.memory_space<vmem>>, vector<512x128xf32>,
    return
  }
  func.func @transform_0(%arg0: i32) -> (i32, i32) {
    %c0_i32 = arith.constant 0 : i32
    %c0_i32_0 = arith.constant 0 : i32
    return %arg0, %c0_i32 : i32, i32
  }
  func.func @transform_1(%arg0: i32) -> (i32, i32) {
    %c0_i32 = arith.constant 0 : i32
    %c0_i32_0 = arith.constant 0 : i32
    %c0_i32_1 = arith.constant 0 : i32
    return %c0_i32, %c0_i32_0 : i32, i32
  }
  func.func @transform_2(%arg0: i32) -> (i32, i32) {
    %c0_i32 = arith.constant 0 : i32
    %c0_i32_0 = arith.constant 0 : i32
    %c0_i32_1 = arith.constant 0 : i32
    return %c0_i32, %c0_i32_0 : i32, i32
  }
  func.func @transform_3(%arg0: i32) -> (i32, i32) {
    %c0_i32 = arith.constant 0 : i32
    %c0_i32_0 = arith.constant 0 : i32
    return %arg0, %c0_i32 : i32, i32
  }
}

</mosaic_0001>

<sc_bundles>
// kernel: kernel.4.cloned.1.call-start
scs
__scs_entry_jumppad:
0x0: {  	(pc) =	sbr.rel $0x88, $3  }
0x1: {  	(tag) =	ssettag $0x0;
	lr =	simm.s32 $0x1  }
0x2: {  	[smem:$0x3F9D] =	sst lr;
	_ =	strace $0xD0000000  }
0x3: {  	_ = 	snop  }
0x4: {  	_ = 	snop  }
0x5: {  	_ = 	snop  }
0x6: {  	_ = 	snop  }
0x7: {  	_ = 	snop  }
__scs_overlays_trampoline_lowered:
0x8: {  	[smem:$0x3FAC] =	sst s0  }
0x9: {  	[smem:$0x3FAD] =	sst s1  }
0xa: {  	[smem:$0x3FAE] =	sst s2  }
0xb: {  	[smem:$0x3FAF] =	sst s3  }
0xc: {  	[smem:$0x3FB0] =	sst s4  }
0xd: {  	[smem:$0x3FB1] =	sst s5  }
0xe: {  	[smem:$0x3FB2] =	sst s6  }
0xf: {  	[smem:$0x3FB3] =	sst s7  }
0x10: {  	[smem:$0x3FB4] =	sst s8  }
0x11: {  	[smem:$0x3FB5] =	sst s9;
	s0 =	simm.s32 @!p0 $0x0  }
0x12: {  	s1 =	sld [smem:$0x3F9B];
	s0 =	simm.s32 @p0 $0x1  }
0x13: {  	[smem:$0x3FB6] =	sst s0;
	s0 =	simm.s32 @!p1 $0x0  }
0x14: {  	s2 =	sld [smem:$0x3F9A];
	s0 =	simm.s32 @p1 $0x1  }
0x15: {  	[smem:$0x3FB7] =	sst s0;
	s0 =	simm.s32 @!p2 $0x0  }
0x16: {  	s3 =	sld [smem:$0x3FDB];
	s0 =	simm.s32 @p2 $0x1  }
0x17: {  	s4 =	simm.s32 $0x1BF5;
	[smem:$0x3FB9] =	sst s0  }
0x18: {  	s0 =	sld [smem:$0x3F9C];
	_ =	swait.ge [sflag:s4], $0x0  }
0x19: {  	s7 =	sld [smem:$0x3F9D]  }
0x1a: {  	s8 =	sadd.s32 $0xFFFFE003, lr  }
0x1b: {  	s9 =	sadd.s32 $0xFFFFFEF7, lr;
	s5 =	simm.s32 $0xFFFFFFFF;
	p2 =	slt.u32 s8, $0xFFFFF086  }
0x1c: {  	p1 =	slt.u32 s9, $0xF7A;
	s5 =	simm.s32 @!p2 $0x0  }
0x1d: {  	s5 =	simm.s32 @p1 $0x1;
	p0 =	seq.s32 s7, s2  }
0x1e: {  	s7 =	smul.u32 @!p0 $0xF7A, s2;
	p2 =	seq.s32 @!p0 s5, $0x0  }
0x1f: {  	s9 =	smul.u32 $0xF7A, s1;
	s8 =	simm.s32 @!p0 $0x1BF5;
	p2 =	por !p2, p0  }
0x20: {  	[sflag:s8] =	ssyncset.s32 @!p0 $0xFFFFF086;
	s6 =	sadd.s32 @!p0 s3, s7;
	s7 =	simm.s32 @!p0 $0x108  }
0x21: {  	s3 =	sadd.s32 s3, s9;
	s6 =	sadd.s32 @!p0 $0x88, s6;
	s7 =	simm.s32 @p2 $0x1082  }
0x22: {  	[simem:s7], [sflag:s8] =	dma.local @!p0 [hbm:s6], $0xF7A  }
0x23: {  	s9 =	sor.u32 $0xD0000000, s2;
	s6 =	simm.s32 $0x108;
	_ =	swait.ge @!p0 [sflag:s8], $0x0  }
0x24: {  	s3 =	sadd.s32 $0x88, s3;
	s6 =	simm.s32 @!p1 $0x1082;
	[sflag:s4] =	ssyncset.s32 $0xFFFFF086  }
0x25: {  	[simem:s6], [sflag:s4] =	dma.local [hbm:s3], $0xF7A  }
0x26: {  	[smem:$0x3F9D] =	sst s1;
	(tag) =	ssettag s2;
	_ =	strace s9  }
0x27: {  	s1 =	sld [smem:$0x3FAD]  }
0x28: {  	s2 =	sld [smem:$0x3FAE]  }
0x29: {  	s4 =	sld [smem:$0x3FB0]  }
0x2a: {  	p0 =	seq.s32 s5, $0x0;
	s5 =	sld [smem:$0x3FB1]  }
0x2b: {  	s6 =	sld [smem:$0x3FB2]  }
0x2c: {  	s7 =	sld [smem:$0x3FB3]  }
0x2d: {  	s3 =	simm.s32 $0x108;
	s8 =	sld [smem:$0x3FB4]  }
0x2e: {  	s3 =	simm.s32 @!p0 $0x1082;
	s9 =	sld [smem:$0x3FB5]  }
0x2f: {  	lr =	sadd.s32 s0, s3;
	s0 =	sld [smem:$0x3FAC]  }
0x30: {  	s3 =	sld [smem:$0x3FAF]  }
0x31: {  	[smem:$0x3FB8] =	sst s10  }
0x32: {  	s10 =	sld [smem:$0x3FB6];
	_ =	sdelay $0x3  }
0x33: {  	p0 =	seq.s32 s10, $0x1;
	s10 =	sld [smem:$0x3FB8];
	_ =	sdelay $0x3  }
0x34: {  	[smem:$0x3FB8] =	sst s10  }
0x35: {  	s10 =	sld [smem:$0x3FB7];
	_ =	sdelay $0x3  }
0x36: {  	p1 =	seq.s32 s10, $0x1;
	s10 =	sld [smem:$0x3FB8];
	_ =	sdelay $0x3  }
0x37: {  	[smem:$0x3FB8] =	sst s10  }
0x38: {  	s10 =	sld [smem:$0x3FB9]  }
0x39: {  	_ = 	snop;
	(pc) =	sbr.ind lr, $3  }
0x3a: {  	_ = 	snop  }
0x3b: {  	_ = 	snop  }
0x3c: {  	p2 =	seq.s32 s10, $0x1;
	s10 =	sld [smem:$0x3FB8]  }
0x3d: {  	_ =	shalt  }
0x3e: {  	_ =	shalt  }
0x3f: {  	_ =	shalt  }
0x40: {  	_ =	shalt  }
0x41: {  	_ =	shalt  }
0x42: {  	_ =	shalt  }
0x43: {  	_ =	shalt  }
0x44: {  	_ =	shalt  }
0x45: {  	_ =	shalt  }
0x46: {  	_ =	shalt  }
0x47: {  	_ =	shalt  }
0x48: {  	_ =	shalt  }
0x49: {  	_ =	shalt  }
0x4a: {  	_ =	shalt  }
0x4b: {  	_ =	shalt  }
0x4c: {  	_ =	shalt  }
0x4d: {  	_ =	shalt  }
0x4e: {  	_ =	shalt  }
0x4f: {  	_ =	shalt  }
0x50: {  	_ =	shalt  }
0x51: {  	_ =	shalt  }
0x52: {  	_ =	shalt  }
0x53: {  	_ =	shalt  }
0x54: {  	_ =	shalt  }
0x55: {  	_ =	shalt  }
0x56: {  	_ =	shalt  }
0x57: {  	_ =	shalt  }
0x58: {  	_ =	shalt  }
0x59: {  	_ =	shalt  }
0x5a: {  	_ =	shalt  }
0x5b: {  	_ =	shalt  }
0x5c: {  	_ =	shalt  }
0x5d: {  	_ =	shalt  }
0x5e: {  	_ =	shalt  }
0x5f: {  	_ =	shalt  }
0x60: {  	_ =	shalt  }
0x61: {  	_ =	shalt  }
0x62: {  	_ =	shalt  }
0x63: {  	_ =	shalt  }
0x64: {  	_ =	shalt  }
0x65: {  	_ =	shalt  }
0x66: {  	_ =	shalt  }
0x67: {  	_ =	shalt  }
0x68: {  	_ =	shalt  }
0x69: {  	_ =	shalt  }
0x6a: {  	_ =	shalt  }
0x6b: {  	_ =	shalt  }
0x6c: {  	_ =	shalt  }
0x6d: {  	_ =	shalt  }
0x6e: {  	_ =	shalt  }
0x6f: {  	_ =	shalt  }
0x70: {  	_ =	shalt  }
0x71: {  	_ =	shalt  }
0x72: {  	_ =	shalt  }
0x73: {  	_ =	shalt  }
0x74: {  	_ =	shalt  }
0x75: {  	_ =	shalt  }
0x76: {  	_ =	shalt  }
0x77: {  	_ =	shalt  }
0x78: {  	_ =	shalt  }
0x79: {  	_ =	shalt  }
0x7a: {  	_ =	shalt  }
0x7b: {  	_ =	shalt  }
0x7c: {  	_ =	shalt  }
0x7d: {  	_ =	shalt  }
0x7e: {  	_ =	shalt  }
0x7f: {  	_ =	shalt  }
0x80: {  	_ =	shalt  }
0x81: {  	_ =	shalt  }
0x82: {  	_ =	shalt  }
0x83: {  	_ =	shalt  }
0x84: {  	_ =	shalt  }
0x85: {  	_ =	shalt  }
0x86: {  	_ =	shalt  }
0x87: {  	_ =	shalt  }
.Lfunc_end0:
.L_simem_size_0:
called_computation_lowered:
.L_overlay_start_0:
0x88: {  	s2 =	sld [smem:$0x3FD9]  }
0x89: {  	s3 =	sld [smem:$0x3FFE];
	_ =	sdelay $0x1  }
0x8a: {  	s1 =	srdreg.scid  }
0x8b: {  	s0 =	sand.u32 $0x1, s1  }
0x8c: {  	s17 =	sshll.u32 s0, $0xA;
	s2 =	sadd.s32 s3, s2  }
0x8d: {  	s2 =	sadd.s32 s2, s17  }
0x8e: {  	[smem:$0x3FC4] =	sst s2  }
0x8f: {  	_ = 	snop  }
0x90: {  	s2 =	sld [smem:$0x3FC8]  }
0x91: {  	s18 =	sld [smem:$0x3FD0];
	(tm) =	ssettm $0x1  }
0x92: {  	s4 =	sld [smem:$0x3FFB];
	_ =	sdelay $0x3  }
0x93: {  	_ =	strace s4  }
0x94: {  	s4 =	sld [smem:$0x3FFC];
	_ =	sdelay $0x3  }
0x95: {  	_ =	strace s4  }
0x96: {  	s4 =	sld [smem:$0x3FFD];
	_ =	sdelay $0x3  }
0x97: {  	_ =	strace s4  }
0x98: {  	_ =	strace $0x8FFFFFFF  }
0x99: {  	s19 =	sld [smem:$0x3FDB];
	_ =	sdelay $0x1  }
0x9a: {  	s5 =	simm.s32 $_scs_section_size  }
0x9b: {  	s6 =	simm.s32 $_size__tile_overlayer_lowered;
	s7 =	simm.s32 $_tile_overlayer_lowered  }
0x9c: {  	s22 =	simm.s32 $0x1BFF;
	s21 =	sshll.u32 s7, $0x1;
	s4 =	sadd.s32 s5, s19  }
0x9d: {  	s8 =	simm.s32 $0x0;
	s20 =	sshll.u32 s6, $0x1;
	s6 =	sadd.s32 s21, s4  }
0x9e: {  	[timem:s8], [sflag:s22] =	dma.local [hbm:s6], s20  }
0x9f: {  	_ =	swait.ge [sflag:s22], s20  }
0xa0: {  	s5 =	ssub.s32 $0x0, s20;
	[sflag:s22] =	ssyncset.done $0x0  }
0xa1: {  	[sflag:s22] =	ssyncadd.s32 s5;
	_ =	sdelay $0x1  }
0xa2: {  	s23 =	simm.s32 $0x1B8B  }
0xa3: {  	_ =	swait.ge [sflag:s23], $0x1  }
0xa4: {  	[sflag:s23] =	ssyncset.done $0x0  }
0xa5: {  	s25 =	simm.s32 $0x1B8E;
	s24 =	sld [smem:$0x3FFE];
	[sflag:s23] =	ssyncadd.s32 $0xFFFFFFFF  }
0xa6: {  	s26 =	simm.s32 $execute0_lowered;
	[smem:$0x3FD2] =	sst s25  }
0xa7: {  	s6 =	sshll.u32 s26, $0x1;
	_ =	strace $0x80000046;
	[dreg:$0x1] =	wrdreg $0xFFFFFFFF  }
0xa8: {  	s28 =	simm.s32 $_size_execute0_lowered;
	s4 =	sadd.s32 s4, s6;
	[dreg:$0x0] =	wrdreg $0x0  }
0xa9: {  	s6 =	sshll.u32 s28, $0x1;
	[dreg:$0x2] =	wrdreg s4  }
0xaa: {  	[dreg:$0x3] =	wrdreg s6  }
0xab: {  	[dreg:$0x4] =	wrdreg $0xC0  }
0xac: {  	_ =	task [dreg:s8], $0x5FFFF  }
0xad: {  	[dreg:$0x1] =	wrdreg $0xFFFFFFFF  }
0xae: {  	[dreg:$0x0] =	wrdreg $0x60  }
0xaf: {  	[dreg:$0x2] =	wrdreg s24  }
0xb0: {  	[dreg:$0x3] =	wrdreg s2  }
0xb1: {  	[dreg:$0x4] =	wrdreg s18  }
0xb2: {  	[dreg:$0x5] =	wrdreg $0x9  }
0xb3: {  	_ =	task.clear_ibuf [dreg:s8], $0x6FFFF;
	_ =	strace $0x90000046  }
0xb4: {  	s29 =	simm.s32 $0x9;
	_ =	strace $0x80000048  }
0xb5: {  	_ =	swait.ge [sflag:s29], $0x1  }
0xb6: {  	[sflag:s29] =	ssyncadd.s32 $0xFFFFFFFF  }
0xb7: {  	_ =	strace $0x90000048  }
0xb8: {  	_ =	sfence  }
0xb9: {  	s30 =	sld [smem:$0x0];
	_ =	sdelay $0x2  }
0xba: {  	s31 =	sshll.u32 s1, $0xD;
	s1 =	sshrl.u32 s1, $0x2  }
0xbb: {  	s3 =	sand.u32 $0x4000, s31;
	s1 =	sadd.s32 s1, s30  }
0xbc: {  	s0 =	sor.u32 s3, s0;
	s1 =	sshll.u32 s1, $0x11  }
0xbd: {  	s0 =	sor.u32 s1, s0  }
0xbe: {  	s0 =	sadd.s32 $0x8F2B, s0  }
0xbf: {  	[sflag:s0] =	ssyncadd.remote.s32 $0x1  }
0xc0: {  	_ =	sfence.sel $0xFFFF  }
0xc1: {  	[dreg:$0x0] =	wrdreg $0xFFFFFFFF;
	(pc) =	sbr.abs _section_cstart, $3  }
0xc2: {  	[dreg:$0x1] =	wrdreg $0xFFFFFFFF  }
0xc3: {  	_ =	task.clear_ibuf [dreg:s8], $0x2FFFF;
	_ =	strace $0x9FFFFFFF  }
0xc4: {  	(tm) =	ssettm $0x7FFFFFFF  }
0xc5: {  	_ =	shalt  }
tec
execute0_lowered:
.L_overlay_start_1:
0x0: {  	(tag) =	ssettag $0x1  }
0x1: {  	s4 =	rddreg [dreg:$0x0]  }
0x2: {  	s1 =	srdreg.scid;
	s2 =	rddreg [dreg:$0x1]  }
0x3: {  	s0 =	stileid.u32;
	s6 =	rddreg [dreg:$0x2]  }
0x4: {  	s3 =	simm.s32 $0x0;
	s9 =	simm.s32 $0x8000;
	s10 =	simm.s32 $0x48  }
0x5: {  	s11 =	simm.s32 $0x400;
	s12 =	simm.s32 $0xC000;
	s13 =	simm.s32 $0xE400  }
0x6: {  	s14 =	simm.s32 $0x480;
	s15 =	simm.s32 $0x12400;
	s16 =	simm.s32 $0x14800  }
0x7: {  	s17 =	simm.s32 $0x18800;
	s18 =	simm.s32 $0x1;
	s19 =	simm.s32 $0x2  }
0x8: {  	s20 =	simm.s32 $0x3;
	s21 =	simm.s32 $0x1AC00;
	s22 =	simm.s32 $0x0  }
0x9: {  	s5 =	sand.u32 $0x1, s1;
	s7 =	sshll.u32 s0, $0x8;
	s1 =	rddreg [dreg:$0x3]  }
0xa: {  	[smem:$0x7FF] =	sst s3;
	s8 =	sshll.u32 s5, $0x7;
	s5 =	ssub.s32 $0x2, s5  }
0xb: {  	_ =	strace $0x80000047;
	s7 =	sor.u32 s8, s7;
	s30 =	sshrl.u32 s5, $0x1  }
0xc: {  	s8 =	sshll.u32 s7, $0x5;
	s31 =	sshll.u32 s7, $0x4;
	s7 =	simm.s32 $0x4  }
0xd: {  	s4 =	sadd.s32 s8, s4;
	s8 =	ssub.s32 s5, s30;
	s5 =	sadd.s32 s6, s31  }
0xe: {  	s4 =	sadd.s32 $0xA00, s4;
	s6 =	smax.u32 s8, $0x1;
	s8 =	simm.s32 $0x80  }
.LBB2_1:
0xf: {  	[tilespmem:s3], [sflag:$0x4] =	stream.linear.gather [hbm4b:s4+s3], $0x8000, $0x38;
	[tilespmem:$0x1EC00] =	vst v63  }
0x10: {  	_ =	swait.ge [sflag:s7], $0x8000  }
0x11: {  	[sflag:s7] =	ssyncset.done $0x0  }
0x12: {  	[sflag:s7] =	ssyncadd.s32 $0xFFFF8000  }
0x13: {  	[tilespmem:s9], [sflag:$0x1] =	stream.indirect.gather [hbm4b:s2+s8], $0x80, s3, s8, $0xb8;
	[tilespmem:$0x1EC00] =	vst v63  }
0x14: {  	_ = 	snop  }
0x15: {  	[tilespmem:s12], [sflag:$0x1] =	stream.indirect.gather [hbm4b:s2+s10], $0x80, s11, s10, $0xb8;
	[tilespmem:$0x1EC00] =	vst v63  }
0x16: {  	_ = 	snop  }
0x17: {  	[tilespmem:s13], [sflag:$0x2] =	stream.indirect.gather [hbm4b:s2+s8], $0x80, s8, s8, $0xb8;
	[tilespmem:$0x1EC00] =	vst v63  }
0x18: {  	s23 =	simm.s32 $0x0  }
0x19: {  	[tilespmem:s15], [sflag:$0x2] =	stream.indirect.gather [hbm4b:s2+s10], $0x80, s14, s10, $0xb8;
	[tilespmem:$0x1EC00] =	vst v63  }
.LBB2_2:
0x1a: {  	s25 =	smul.u32 $0x3, s23;
	_ =	sdelay $0x1  }
0x1b: {  	s24 =	sadd.s32 $0x2, s25  }
0x1c: {  	s26 =	sshll.u32 s24, $0x8;
	s24 =	sshll.u32 s24, $0x7  }
0x1d: {  	s26 =	sand.u32 $0x1F800, s26;
	s28 =	sand.u32 $0x380, s24  }
0x1e: {  	s26 =	sor.u32 s28, s26  }
0x1f: {  	[tilespmem:s16], [sflag:$0x3] =	stream.indirect.gather [hbm4b:s2+s8], $0x80, s26, s8, $0xb8;
	[tilespmem:$0x1EC00] =	vst v63  }
0x20: {  	s26 =	sor.u32 $0x400, s26  }
0x21: {  	[tilespmem:s17], [sflag:$0x3] =	stream.indirect.gather [hbm4b:s2+s10], $0x80, s26, s10, $0xb8;
	[tilespmem:$0x1EC00] =	vst v63  }
0x22: {  	_ =	swait.ge [sflag:s18], $0x6400  }
0x23: {  	[sflag:s18] =	ssyncset.done $0x0  }
0x24: {  	s28 =	simm.s32 $0x8100;
	[sflag:s18] =	ssyncadd.s32 $0xFFFF9C00  }
0x25: {  	v4 =	vld [tilespmem:s28+$0x80]  }
0x26: {  	v5 =	vld [tilespmem:s28+$0x90]  }
0x27: {  	v11 =	vld [tilespmem:s28+$0xA0]  }
0x28: {  	v12 =	vld [tilespmem:s28+$0xB0]  }
0x29: {  	v0 =	vld [tilespmem:s28+$0xC0]  }
0x2a: {  	v1 =	vld [tilespmem:s28+$0xD0]  }
0x2b: {  	v6 =	vld [tilespmem:s28+$0x0]  }
0x2c: {  	v7 =	vld [tilespmem:s28+$0x10]  }
0x2d: {  	v9 =	vld [tilespmem:s28+$0x20]  }
0x2e: {  	v10 =	vld [tilespmem:s28+$0x30]  }
0x2f: {  	v3 =	vld [tilespmem:s28+$0x40]  }
0x30: {  	v2 =	vld [tilespmem:s28+$0x50]  }
0x31: {  	v8 =	vld [tilespmem:s28+$0xFFFFFF80]  }
0x32: {  	v13 =	vld [tilespmem:s28+$0xFFFFFF90]  }
0x33: {  	v14 =	vld [tilespmem:s28+$0xFFFFFF00]  }
0x34: {  	v15 =	vld [tilespmem:s28+$0xFFFFFF10]  }
0x35: {  	v16 =	vld [tilespmem:s28+$0xFFFFFF20]  }
0x36: {  	v17 =	vld [tilespmem:s28+$0xFFFFFF30]  }
0x37: {  	v18 =	vld [tilespmem:s28+$0xFFFFFFA0]  }
0x38: {  	v19 =	vld [tilespmem:s28+$0xFFFFFFB0]  }
0x39: {  	v20 =	vimm.f32 $0.0e+00;
	v21 =	vld [tilespmem:s28+$0xFFFFFFC0]  }
0x3a: {  	v22 =	vld [tilespmem:s28+$0xFFFFFFD0];
	v14 =	vadd.f32 v14, v20;
	v15 =	vadd.f32 v15, v20  }
0x3b: {  	v23 =	vld [tilespmem:s28+$0xFFFFFF40];
	v16 =	vadd.f32 v16, v20;
	v17 =	vadd.f32 v17, v20  }
0x3c: {  	v24 =	vld [tilespmem:s28+$0xFFFFFF50];
	v8 =	vadd.f32 v8, v14;
	v13 =	vadd.f32 v13, v15  }
0x3d: {  	v14 =	vld [tilespmem:s28+$0xFFFFFF60];
	v15 =	vadd.f32 v18, v16;
	v16 =	vadd.f32 v19, v17  }
0x3e: {  	v17 =	vld [tilespmem:s28+$0xFFFFFF70];
	v6 =	vadd.f32 v6, v8;
	v13 =	vadd.f32 v7, v13  }
0x3f: {  	v8 =	vld [tilespmem:s28+$0xFFFFFFE0];
	v15 =	vadd.f32 v9, v15;
	v16 =	vadd.f32 v10, v16  }
0x40: {  	v10 =	vld [tilespmem:s28+$0xFFFFFFF0];
	v7 =	vadd.f32 v4, v6;
	v6 =	vadd.f32 v5, v13  }
0x41: {  	v9 =	vld [tilespmem:s28+$0x60];
	v5 =	vadd.f32 v11, v15;
	v4 =	vadd.f32 v12, v16  }
0x42: {  	v13 =	vadd.f32 v23, v20;
	v16 =	vadd.f32 v24, v20;
	v12 =	vld [tilespmem:s28+$0x70]  }
0x43: {  	v11 =	vld [tilespmem:s28+$0xE0];
	v15 =	vadd.f32 v14, v20;
	v14 =	vadd.f32 v17, v20  }
0x44: {  	s26 =	simm.s32 $0x0;
	v17 =	vadd.f32 v21, v13;
	v16 =	vadd.f32 v22, v16;
	v13 =	vld [tilespmem:s28+$0xF0];
	s28 =	simm.s32 $0x8300  }
.LBB2_3:
0x45: {  	v18 =	vld [tilespmem:s28+$0x80];
	v8 =	vadd.f32 v8, v15;
	v10 =	vadd.f32 v10, v14  }
0x46: {  	v14 =	vld [tilespmem:s28+$0x90];
	v3 =	vadd.f32 v3, v17;
	v2 =	vadd.f32 v2, v16  }
0x47: {  	v15 =	vld [tilespmem:s28+$0xA0];
	v8 =	vadd.f32 v9, v8;
	v9 =	vadd.f32 v12, v10  }
0x48: {  	v12 =	vld [tilespmem:s28+$0xB0];
	v16 =	vadd.f32 v0, v3;
	v17 =	vadd.f32 v1, v2  }
0x49: {  	v0 =	vld [tilespmem:s28+$0xC0];
	v11 =	vadd.f32 v11, v8;
	v13 =	vadd.f32 v13, v9  }
0x4a: {  	v1 =	vld [tilespmem:s28+$0xD0]  }
0x4b: {  	v8 =	vld [tilespmem:s28+$0x0]  }
0x4c: {  	v9 =	vld [tilespmem:s28+$0x10]  }
0x4d: {  	v10 =	vld [tilespmem:s28+$0x20]  }
0x4e: {  	v19 =	vld [tilespmem:s28+$0x30]  }
0x4f: {  	v3 =	vld [tilespmem:s28+$0x40]  }
0x50: {  	v2 =	vld [tilespmem:s28+$0x50]  }
0x51: {  	v20 =	vld [tilespmem:s28+$0xFFFFFF80]  }
0x52: {  	v21 =	vld [tilespmem:s28+$0xFFFFFF90]  }
0x53: {  	v22 =	vld [tilespmem:s28+$0xFFFFFF00]  }
0x54: {  	v23 =	vld [tilespmem:s28+$0xFFFFFF10]  }
0x55: {  	v24 =	vld [tilespmem:s28+$0xFFFFFF20]  }
0x56: {  	v25 =	vld [tilespmem:s28+$0xFFFFFF30]  }
0x57: {  	v26 =	vld [tilespmem:s28+$0xFFFFFFA0]  }
0x58: {  	v27 =	vld [tilespmem:s28+$0xFFFFFFB0]  }
0x59: {  	v28 =	vld [tilespmem:s28+$0xFFFFFFC0]  }
0x5a: {  	v7 =	vadd.f32 v22, v7;
	v6 =	vadd.f32 v23, v6;
	v22 =	vld [tilespmem:s28+$0xFFFFFFD0]  }
0x5b: {  	v5 =	vadd.f32 v24, v5;
	v4 =	vadd.f32 v25, v4;
	v23 =	vld [tilespmem:s28+$0xFFFFFF40]  }
0x5c: {  	v7 =	vadd.f32 v20, v7;
	v6 =	vadd.f32 v21, v6;
	v24 =	vld [tilespmem:s28+$0xFFFFFF50]  }
0x5d: {  	v5 =	vadd.f32 v26, v5;
	v20 =	vld [tilespmem:s28+$0xFFFFFF60];
	v4 =	vadd.f32 v27, v4  }
0x5e: {  	s26 =	sadd.s32 $0x4, s26;
	v7 =	vadd.f32 v8, v7;
	v6 =	vadd.f32 v9, v6;
	v21 =	vld [tilespmem:s28+$0xFFFFFF70]  }
0x5f: {  	p0 =	slt.u32 s26, $0xC4;
	v5 =	vadd.f32 v10, v5;
	v8 =	vld [tilespmem:s28+$0xFFFFFFE0];
	v4 =	vadd.f32 v19, v4  }
.Ltmp0:
0x60: {  	v7 =	vadd.f32 v18, v7;
	v6 =	vadd.f32 v14, v6;
	v10 =	vld [tilespmem:s28+$0xFFFFFFF0];
	(pc) =	sbr.rel @p0 .LBB2_3-.Ltmp0, $4  }
0x61: {  	v5 =	vadd.f32 v15, v5;
	v9 =	vld [tilespmem:s28+$0x60];
	v4 =	vadd.f32 v12, v4  }
0x62: {  	v16 =	vadd.f32 v23, v16;
	v18 =	vadd.f32 v24, v17;
	v12 =	vld [tilespmem:s28+$0x70]  }
0x63: {  	v15 =	vadd.f32 v20, v11;
	v14 =	vadd.f32 v21, v13;
	v11 =	vld [tilespmem:s28+$0xE0]  }
0x64: {  	v17 =	vadd.f32 v28, v16;
	v16 =	vadd.f32 v22, v18;
	v13 =	vld [tilespmem:s28+$0xF0];
	s28 =	sadd.s32 $0x200, s28  }
0x65: {  	s26 =	smul.u32 $0x600, s23;
	_ =	sdelay $0x1  }
0x66: {  	s26 =	sshra.s32 s26, $0x2  }
0x67: {  	v8 =	vadd.f32 v8, v15;
	v3 =	vadd.f32 v3, v17;
	[tilespmem:s26+$0x1AC00] =	vst v7  }
0x68: {  	v2 =	vadd.f32 v2, v16;
	v7 =	vadd.f32 v10, v14;
	[tilespmem:s26+$0x1AC10] =	vst v6  }
0x69: {  	v6 =	vadd.f32 v9, v8;
	v0 =	vadd.f32 v0, v3;
	[tilespmem:s26+$0x1AC20] =	vst v5  }
0x6a: {  	v1 =	vadd.f32 v1, v2;
	[tilespmem:s26+$0x1AC30] =	vst v4;
	v3 =	vadd.f32 v12, v7  }
0x6b: {  	s28 =	sadd.s32 $0x3, s25;
	v2 =	vadd.f32 v11, v6;
	[tilespmem:s26+$0x1AC40] =	vst v0  }
0x6c: {  	s29 =	sshll.u32 s28, $0x8;
	s28 =	sshll.u32 s28, $0x7;
	[tilespmem:s26+$0x1AC50] =	vst v1;
	v0 =	vadd.f32 v13, v3  }
0x6d: {  	s29 =	sand.u32 $0x1F800, s29;
	s28 =	sand.u32 $0x380, s28;
	[tilespmem:s26+$0x1AC60] =	vst v2  }
0x6e: {  	s28 =	sor.u32 s28, s29;
	[tilespmem:s26+$0x1AC70] =	vst v0  }
0x6f: {  	[tilespmem:s9], [sflag:$0x1] =	stream.indirect.gather [hbm4b:s2+s8], $0x80, s28, s8, $0xb8;
	[tilespmem:$0x1EC00] =	vst v63  }
0x70: {  	s28 =	sor.u32 $0x400, s28  }
0x71: {  	[tilespmem:s12], [sflag:$0x1] =	stream.indirect.gather [hbm4b:s2+s10], $0x80, s28, s10, $0xb8;
	[tilespmem:$0x1EC00] =	vst v63  }
0x72: {  	_ =	swait.ge [sflag:s19], $0x6400  }
0x73: {  	[sflag:s19] =	ssyncset.done $0x0  }
0x74: {  	s29 =	simm.s32 $0xE400;
	[sflag:s19] =	ssyncadd.s32 $0xFFFF9C00  }
0x75: {  	v4 =	vld [tilespmem:s29+$0x180]  }
0x76: {  	v5 =	vld [tilespmem:s29+$0x190]  }
0x77: {  	v11 =	vld [tilespmem:s29+$0x1A0]  }
0x78: {  	v12 =	vld [tilespmem:s29+$0x1B0]  }
0x79: {  	v0 =	vld [tilespmem:s29+$0x1C0]  }
0x7a: {  	v1 =	vld [tilespmem:s29+$0x1D0]  }
0x7b: {  	v6 =	vld [tilespmem:s29+$0x100]  }
0x7c: {  	v7 =	vld [tilespmem:s29+$0x110]  }
0x7d: {  	v9 =	vld [tilespmem:s29+$0x120]  }
0x7e: {  	v10 =	vld [tilespmem:s29+$0x130]  }
0x7f: {  	v3 =	vld [tilespmem:s29+$0x140]  }
0x80: {  	v2 =	vld [tilespmem:s29+$0x150]  }
0x81: {  	v8 =	vld [tilespmem:s29+$0x80]  }
0x82: {  	v13 =	vld [tilespmem:s29+$0x90]  }
0x83: {  	v14 =	vld [tilespmem:s29+$0x0]  }
0x84: {  	v15 =	vld [tilespmem:s29+$0x10]  }
0x85: {  	v16 =	vld [tilespmem:s29+$0x20]  }
0x86: {  	v17 =	vld [tilespmem:s29+$0x30]  }
0x87: {  	v18 =	vld [tilespmem:s29+$0xA0]  }
0x88: {  	v19 =	vld [tilespmem:s29+$0xB0]  }
0x89: {  	v20 =	vimm.f32 $0.0e+00;
	v21 =	vld [tilespmem:s29+$0xC0]  }
0x8a: {  	v22 =	vld [tilespmem:s29+$0xD0];
	v14 =	vadd.f32 v14, v20;
	v15 =	vadd.f32 v15, v20  }
0x8b: {  	v23 =	vld [tilespmem:s29+$0x40];
	v16 =	vadd.f32 v16, v20;
	v17 =	vadd.f32 v17, v20  }
0x8c: {  	v24 =	vld [tilespmem:s29+$0x50];
	v8 =	vadd.f32 v8, v14;
	v13 =	vadd.f32 v13, v15  }
0x8d: {  	v14 =	vld [tilespmem:s29+$0x60];
	v15 =	vadd.f32 v18, v16;
	v16 =	vadd.f32 v19, v17  }
0x8e: {  	v17 =	vld [tilespmem:s29+$0x70];
	v6 =	vadd.f32 v6, v8;
	v13 =	vadd.f32 v7, v13  }
0x8f: {  	v8 =	vld [tilespmem:s29+$0xE0];
	v15 =	vadd.f32 v9, v15;
	v16 =	vadd.f32 v10, v16  }
0x90: {  	v10 =	vld [tilespmem:s29+$0xF0];
	v7 =	vadd.f32 v4, v6;
	v6 =	vadd.f32 v5, v13  }
0x91: {  	v9 =	vld [tilespmem:s29+$0x160];
	v5 =	vadd.f32 v11, v15;
	v4 =	vadd.f32 v12, v16  }
0x92: {  	v13 =	vadd.f32 v23, v20;
	v16 =	vadd.f32 v24, v20;
	v12 =	vld [tilespmem:s29+$0x170]  }
0x93: {  	v11 =	vld [tilespmem:s29+$0x1E0];
	v15 =	vadd.f32 v14, v20;
	v14 =	vadd.f32 v17, v20  }
0x94: {  	s28 =	simm.s32 $0x0;
	v17 =	vadd.f32 v21, v13;
	v16 =	vadd.f32 v22, v16;
	v13 =	vld [tilespmem:s29+$0x1F0];
	s29 =	simm.s32 $0xE600  }
.LBB2_5:
0x95: {  	v18 =	vld [tilespmem:s29+$0x180];
	v8 =	vadd.f32 v8, v15;
	v10 =	vadd.f32 v10, v14  }
0x96: {  	v14 =	vld [tilespmem:s29+$0x190];
	v3 =	vadd.f32 v3, v17;
	v2 =	vadd.f32 v2, v16  }
0x97: {  	v15 =	vld [tilespmem:s29+$0x1A0];
	v8 =	vadd.f32 v9, v8;
	v9 =	vadd.f32 v12, v10  }
0x98: {  	v12 =	vld [tilespmem:s29+$0x1B0];
	v16 =	vadd.f32 v0, v3;
	v17 =	vadd.f32 v1, v2  }
0x99: {  	v0 =	vld [tilespmem:s29+$0x1C0];
	v11 =	vadd.f32 v11, v8;
	v13 =	vadd.f32 v13, v9  }
0x9a: {  	v1 =	vld [tilespmem:s29+$0x1D0]  }
0x9b: {  	v8 =	vld [tilespmem:s29+$0x100]  }
0x9c: {  	v9 =	vld [tilespmem:s29+$0x110]  }
0x9d: {  	v10 =	vld [tilespmem:s29+$0x120]  }
0x9e: {  	v19 =	vld [tilespmem:s29+$0x130]  }
0x9f: {  	v3 =	vld [tilespmem:s29+$0x140]  }
0xa0: {  	v2 =	vld [tilespmem:s29+$0x150]  }
0xa1: {  	v20 =	vld [tilespmem:s29+$0x80]  }
0xa2: {  	v21 =	vld [tilespmem:s29+$0x90]  }
0xa3: {  	v22 =	vld [tilespmem:s29+$0x0]  }
0xa4: {  	v23 =	vld [tilespmem:s29+$0x10]  }
0xa5: {  	v24 =	vld [tilespmem:s29+$0x20]  }
0xa6: {  	v25 =	vld [tilespmem:s29+$0x30]  }
0xa7: {  	v26 =	vld [tilespmem:s29+$0xA0]  }
0xa8: {  	v27 =	vld [tilespmem:s29+$0xB0]  }
0xa9: {  	v28 =	vld [tilespmem:s29+$0xC0]  }
0xaa: {  	v7 =	vadd.f32 v22, v7;
	v6 =	vadd.f32 v23, v6;
	v22 =	vld [tilespmem:s29+$0xD0]  }
0xab: {  	v5 =	vadd.f32 v24, v5;
	v4 =	vadd.f32 v25, v4;
	v23 =	vld [tilespmem:s29+$0x40]  }
0xac: {  	v7 =	vadd.f32 v20, v7;
	v6 =	vadd.f32 v21, v6;
	v24 =	vld [tilespmem:s29+$0x50]  }
0xad: {  	v5 =	vadd.f32 v26, v5;
	v20 =	vld [tilespmem:s29+$0x60];
	v4 =	vadd.f32 v27, v4  }
0xae: {  	s28 =	sadd.s32 $0x4, s28;
	v7 =	vadd.f32 v8, v7;
	v6 =	vadd.f32 v9, v6;
	v21 =	vld [tilespmem:s29+$0x70]  }
0xaf: {  	p0 =	slt.u32 s28, $0xC4;
	v5 =	vadd.f32 v10, v5;
	v8 =	vld [tilespmem:s29+$0xE0];
	v4 =	vadd.f32 v19, v4  }
.Ltmp1:
0xb0: {  	v7 =	vadd.f32 v18, v7;
	v6 =	vadd.f32 v14, v6;
	v10 =	vld [tilespmem:s29+$0xF0];
	(pc) =	sbr.rel @p0 .LBB2_5-.Ltmp1, $4  }
0xb1: {  	v5 =	vadd.f32 v15, v5;
	v9 =	vld [tilespmem:s29+$0x160];
	v4 =	vadd.f32 v12, v4  }
0xb2: {  	v16 =	vadd.f32 v23, v16;
	v18 =	vadd.f32 v24, v17;
	v12 =	vld [tilespmem:s29+$0x170]  }
0xb3: {  	v15 =	vadd.f32 v20, v11;
	v14 =	vadd.f32 v21, v13;
	v11 =	vld [tilespmem:s29+$0x1E0]  }
0xb4: {  	v17 =	vadd.f32 v28, v16;
	v16 =	vadd.f32 v22, v18;
	v13 =	vld [tilespmem:s29+$0x1F0];
	s29 =	sadd.s32 $0x200, s29  }
0xb5: {  	_ = 	snop  }
0xb6: {  	v8 =	vadd.f32 v8, v15;
	[tilespmem:s26+$0x1AC80] =	vst v7;
	v3 =	vadd.f32 v3, v17  }
0xb7: {  	v7 =	vadd.f32 v10, v14;
	[tilespmem:s26+$0x1AC90] =	vst v6;
	v2 =	vadd.f32 v2, v16  }
0xb8: {  	[tilespmem:s26+$0x1ACA0] =	vst v5;
	v6 =	vadd.f32 v9, v8;
	v0 =	vadd.f32 v0, v3  }
0xb9: {  	[tilespmem:s26+$0x1ACB0] =	vst v4;
	v3 =	vadd.f32 v12, v7;
	v1 =	vadd.f32 v1, v2  }
0xba: {  	s25 =	sadd.s32 $0x4, s25;
	v2 =	vadd.f32 v11, v6;
	[tilespmem:s26+$0x1ACC0] =	vst v0  }
0xbb: {  	s28 =	sshll.u32 s25, $0x8;
	s25 =	sshll.u32 s25, $0x7;
	v0 =	vadd.f32 v13, v3;
	[tilespmem:s26+$0x1ACD0] =	vst v1  }
0xbc: {  	s28 =	sand.u32 $0x1F800, s28;
	s25 =	sand.u32 $0x380, s25;
	[tilespmem:s26+$0x1ACE0] =	vst v2  }
0xbd: {  	s25 =	sor.u32 s25, s28;
	[tilespmem:s26+$0x1ACF0] =	vst v0  }
0xbe: {  	[tilespmem:s13], [sflag:$0x2] =	stream.indirect.gather [hbm4b:s2+s8], $0x80, s25, s8, $0xb8;
	[tilespmem:$0x1EC00] =	vst v63  }
0xbf: {  	s25 =	sor.u32 $0x400, s25  }
0xc0: {  	[tilespmem:s15], [sflag:$0x2] =	stream.indirect.gather [hbm4b:s2+s10], $0x80, s25, s10, $0xb8;
	[tilespmem:$0x1EC00] =	vst v63  }
0xc1: {  	_ =	swait.ge [sflag:s20], $0x6400  }
0xc2: {  	[sflag:s20] =	ssyncset.done $0x0  }
0xc3: {  	s31 =	simm.s32 $0x14800;
	[sflag:s20] =	ssyncadd.s32 $0xFFFF9C00  }
0xc4: {  	v4 =	vld [tilespmem:s31+$0x180]  }
0xc5: {  	v5 =	vld [tilespmem:s31+$0x190]  }
0xc6: {  	v11 =	vld [tilespmem:s31+$0x1A0]  }
0xc7: {  	v12 =	vld [tilespmem:s31+$0x1B0]  }
0xc8: {  	v0 =	vld [tilespmem:s31+$0x1C0]  }
0xc9: {  	v1 =	vld [tilespmem:s31+$0x1D0]  }
0xca: {  	v6 =	vld [tilespmem:s31+$0x100]  }
0xcb: {  	v7 =	vld [tilespmem:s31+$0x110]  }
0xcc: {  	v9 =	vld [tilespmem:s31+$0x120]  }
0xcd: {  	v10 =	vld [tilespmem:s31+$0x130]  }
0xce: {  	v3 =	vld [tilespmem:s31+$0x140]  }
0xcf: {  	v2 =	vld [tilespmem:s31+$0x150]  }
0xd0: {  	v8 =	vld [tilespmem:s31+$0x80]  }
0xd1: {  	v13 =	vld [tilespmem:s31+$0x90]  }
0xd2: {  	v14 =	vld [tilespmem:s31+$0x0]  }
0xd3: {  	v15 =	vld [tilespmem:s31+$0x10]  }
0xd4: {  	v16 =	vld [tilespmem:s31+$0x20]  }
0xd5: {  	v17 =	vld [tilespmem:s31+$0x30]  }
0xd6: {  	v18 =	vld [tilespmem:s31+$0xA0]  }
0xd7: {  	v19 =	vld [tilespmem:s31+$0xB0]  }
0xd8: {  	v20 =	vimm.f32 $0.0e+00;
	v21 =	vld [tilespmem:s31+$0xC0]  }
0xd9: {  	v22 =	vld [tilespmem:s31+$0xD0];
	v14 =	vadd.f32 v14, v20;
	v15 =	vadd.f32 v15, v20  }
0xda: {  	v23 =	vld [tilespmem:s31+$0x40];
	v16 =	vadd.f32 v16, v20;
	v17 =	vadd.f32 v17, v20  }
0xdb: {  	v24 =	vld [tilespmem:s31+$0x50];
	v8 =	vadd.f32 v8, v14;
	v13 =	vadd.f32 v13, v15  }
0xdc: {  	v14 =	vld [tilespmem:s31+$0x60];
	v15 =	vadd.f32 v18, v16;
	v16 =	vadd.f32 v19, v17  }
0xdd: {  	v17 =	vld [tilespmem:s31+$0x70];
	v6 =	vadd.f32 v6, v8;
	v13 =	vadd.f32 v7, v13  }
0xde: {  	v8 =	vld [tilespmem:s31+$0xE0];
	v15 =	vadd.f32 v9, v15;
	v16 =	vadd.f32 v10, v16  }
0xdf: {  	v10 =	vld [tilespmem:s31+$0xF0];
	v7 =	vadd.f32 v4, v6;
	v6 =	vadd.f32 v5, v13  }
0xe0: {  	v9 =	vld [tilespmem:s31+$0x160];
	v5 =	vadd.f32 v11, v15;
	v4 =	vadd.f32 v12, v16  }
0xe1: {  	v13 =	vadd.f32 v23, v20;
	v16 =	vadd.f32 v24, v20;
	v12 =	vld [tilespmem:s31+$0x170]  }
0xe2: {  	v11 =	vld [tilespmem:s31+$0x1E0];
	v15 =	vadd.f32 v14, v20;
	v14 =	vadd.f32 v17, v20  }
0xe3: {  	s26 =	simm.s32 $0x14A00;
	s25 =	simm.s32 $0x0;
	v17 =	vadd.f32 v21, v13;
	v16 =	vadd.f32 v22, v16;
	v13 =	vld [tilespmem:s31+$0x1F0]  }
.LBB2_7:
0xe4: {  	v18 =	vld [tilespmem:s26+$0x180];
	v8 =	vadd.f32 v8, v15;
	v10 =	vadd.f32 v10, v14  }
0xe5: {  	v14 =	vld [tilespmem:s26+$0x190];
	v3 =	vadd.f32 v3, v17;
	v2 =	vadd.f32 v2, v16  }
0xe6: {  	v15 =	vld [tilespmem:s26+$0x1A0];
	v8 =	vadd.f32 v9, v8;
	v9 =	vadd.f32 v12, v10  }
0xe7: {  	v12 =	vld [tilespmem:s26+$0x1B0];
	v16 =	vadd.f32 v0, v3;
	v17 =	vadd.f32 v1, v2  }
0xe8: {  	v0 =	vld [tilespmem:s26+$0x1C0];
	v11 =	vadd.f32 v11, v8;
	v13 =	vadd.f32 v13, v9  }
0xe9: {  	v1 =	vld [tilespmem:s26+$0x1D0]  }
0xea: {  	v8 =	vld [tilespmem:s26+$0x100]  }
0xeb: {  	v9 =	vld [tilespmem:s26+$0x110]  }
0xec: {  	v10 =	vld [tilespmem:s26+$0x120]  }
0xed: {  	v19 =	vld [tilespmem:s26+$0x130]  }
0xee: {  	v3 =	vld [tilespmem:s26+$0x140]  }
0xef: {  	v2 =	vld [tilespmem:s26+$0x150]  }
0xf0: {  	v20 =	vld [tilespmem:s26+$0x80]  }
0xf1: {  	v21 =	vld [tilespmem:s26+$0x90]  }
0xf2: {  	v22 =	vld [tilespmem:s26+$0x0]  }
0xf3: {  	v23 =	vld [tilespmem:s26+$0x10]  }
0xf4: {  	v24 =	vld [tilespmem:s26+$0x20]  }
0xf5: {  	v25 =	vld [tilespmem:s26+$0x30]  }
0xf6: {  	v26 =	vld [tilespmem:s26+$0xA0]  }
0xf7: {  	v27 =	vld [tilespmem:s26+$0xB0]  }
0xf8: {  	v28 =	vld [tilespmem:s26+$0xC0]  }
0xf9: {  	v7 =	vadd.f32 v22, v7;
	v6 =	vadd.f32 v23, v6;
	v22 =	vld [tilespmem:s26+$0xD0]  }
0xfa: {  	v5 =	vadd.f32 v24, v5;
	v4 =	vadd.f32 v25, v4;
	v23 =	vld [tilespmem:s26+$0x40]  }
0xfb: {  	v7 =	vadd.f32 v20, v7;
	v6 =	vadd.f32 v21, v6;
	v24 =	vld [tilespmem:s26+$0x50]  }
0xfc: {  	v5 =	vadd.f32 v26, v5;
	v20 =	vld [tilespmem:s26+$0x60];
	v4 =	vadd.f32 v27, v4  }
0xfd: {  	s25 =	sadd.s32 $0x4, s25;
	v7 =	vadd.f32 v8, v7;
	v6 =	vadd.f32 v9, v6;
	v21 =	vld [tilespmem:s26+$0x70]  }
0xfe: {  	p0 =	slt.u32 s25, $0xC4;
	v5 =	vadd.f32 v10, v5;
	v8 =	vld [tilespmem:s26+$0xE0];
	v4 =	vadd.f32 v19, v4  }
.Ltmp2:
0xff: {  	v7 =	vadd.f32 v18, v7;
	v6 =	vadd.f32 v14, v6;
	v10 =	vld [tilespmem:s26+$0xF0];
	(pc) =	sbr.rel @p0 .LBB2_7-.Ltmp2, $4  }
0x100: {  	v5 =	vadd.f32 v15, v5;
	v9 =	vld [tilespmem:s26+$0x160];
	v4 =	vadd.f32 v12, v4  }
0x101: {  	v16 =	vadd.f32 v23, v16;
	v18 =	vadd.f32 v24, v17;
	v12 =	vld [tilespmem:s26+$0x170]  }
0x102: {  	v15 =	vadd.f32 v20, v11;
	v14 =	vadd.f32 v21, v13;
	v11 =	vld [tilespmem:s26+$0x1E0]  }
0x103: {  	v17 =	vadd.f32 v28, v16;
	v16 =	vadd.f32 v22, v18;
	v13 =	vld [tilespmem:s26+$0x1F0];
	s26 =	sadd.s32 $0x200, s26  }
0x104: {  	_ = 	snop  }
0x105: {  	v8 =	vadd.f32 v8, v15;
	[tilespmem:s24+$0x1AC00] =	vst v7;
	v3 =	vadd.f32 v3, v17  }
0x106: {  	v59 =	vadd.f32 v10, v14;
	[tilespmem:s24+$0x1AC10] =	vst v6;
	s23 =	sadd.s32 $0x1, s23;
	v2 =	vadd.f32 v2, v16  }
0x107: {  	[tilespmem:s24+$0x1AC20] =	vst v5;
	p0 =	sne.s32 s23, $0x2A;
	v60 =	vadd.f32 v9, v8;
	v0 =	vadd.f32 v0, v3  }
.Ltmp3:
0x108: {  	[tilespmem:s24+$0x1AC30] =	vst v4;
	v61 =	vadd.f32 v12, v59;
	v1 =	vadd.f32 v1, v2;
	(pc) =	sbr.rel @p0 .LBB2_2-.Ltmp3, $4  }
0x109: {  	v62 =	vadd.f32 v11, v60;
	[tilespmem:s24+$0x1AC40] =	vst v0  }
0x10a: {  	v63 =	vadd.f32 v13, v61;
	[tilespmem:s24+$0x1AC50] =	vst v1  }
0x10b: {  	[tilespmem:s24+$0x1AC60] =	vst v62  }
0x10c: {  	[tilespmem:s24+$0x1AC70] =	vst v63  }
0x10d: {  	_ =	swait.ge [sflag:s18], $0x6400  }
0x10e: {  	[sflag:s18] =	ssyncset.done $0x0  }
0x10f: {  	s24 =	simm.s32 $0x8100;
	[sflag:s18] =	ssyncadd.s32 $0xFFFF9C00  }
0x110: {  	v4 =	vld [tilespmem:s24+$0x80]  }
0x111: {  	v5 =	vld [tilespmem:s24+$0x90]  }
0x112: {  	v11 =	vld [tilespmem:s24+$0xA0]  }
0x113: {  	v12 =	vld [tilespmem:s24+$0xB0]  }
0x114: {  	v0 =	vld [tilespmem:s24+$0xC0]  }
0x115: {  	v1 =	vld [tilespmem:s24+$0xD0]  }
0x116: {  	v6 =	vld [tilespmem:s24+$0x0]  }
0x117: {  	v7 =	vld [tilespmem:s24+$0x10]  }
0x118: {  	v9 =	vld [tilespmem:s24+$0x20]  }
0x119: {  	v10 =	vld [tilespmem:s24+$0x30]  }
0x11a: {  	v3 =	vld [tilespmem:s24+$0x40]  }
0x11b: {  	v2 =	vld [tilespmem:s24+$0x50]  }
0x11c: {  	v8 =	vld [tilespmem:s24+$0xFFFFFF80]  }
0x11d: {  	v13 =	vld [tilespmem:s24+$0xFFFFFF90]  }
0x11e: {  	v14 =	vld [tilespmem:s24+$0xFFFFFF00]  }
0x11f: {  	v15 =	vld [tilespmem:s24+$0xFFFFFF10]  }
0x120: {  	v16 =	vld [tilespmem:s24+$0xFFFFFF20]  }
0x121: {  	v17 =	vld [tilespmem:s24+$0xFFFFFF30]  }
0x122: {  	v18 =	vld [tilespmem:s24+$0xFFFFFFA0]  }
0x123: {  	v19 =	vld [tilespmem:s24+$0xFFFFFFB0]  }
0x124: {  	v20 =	vimm.f32 $0.0e+00;
	v21 =	vld [tilespmem:s24+$0xFFFFFFC0]  }
0x125: {  	v22 =	vld [tilespmem:s24+$0xFFFFFFD0];
	v14 =	vadd.f32 v14, v20;
	v15 =	vadd.f32 v15, v20  }
0x126: {  	v23 =	vld [tilespmem:s24+$0xFFFFFF40];
	v16 =	vadd.f32 v16, v20;
	v17 =	vadd.f32 v17, v20  }
0x127: {  	v24 =	vld [tilespmem:s24+$0xFFFFFF50];
	v8 =	vadd.f32 v8, v14;
	v13 =	vadd.f32 v13, v15  }
0x128: {  	v14 =	vld [tilespmem:s24+$0xFFFFFF60];
	v15 =	vadd.f32 v18, v16;
	v16 =	vadd.f32 v19, v17  }
0x129: {  	v17 =	vld [tilespmem:s24+$0xFFFFFF70];
	v6 =	vadd.f32 v6, v8;
	v13 =	vadd.f32 v7, v13  }
0x12a: {  	v8 =	vld [tilespmem:s24+$0xFFFFFFE0];
	v15 =	vadd.f32 v9, v15;
	v16 =	vadd.f32 v10, v16  }
0x12b: {  	v10 =	vld [tilespmem:s24+$0xFFFFFFF0];
	v7 =	vadd.f32 v4, v6;
	v6 =	vadd.f32 v5, v13  }
0x12c: {  	v9 =	vld [tilespmem:s24+$0x60];
	v5 =	vadd.f32 v11, v15;
	v4 =	vadd.f32 v12, v16  }
0x12d: {  	v13 =	vadd.f32 v23, v20;
	v16 =	vadd.f32 v24, v20;
	v12 =	vld [tilespmem:s24+$0x70]  }
0x12e: {  	v11 =	vld [tilespmem:s24+$0xE0];
	v15 =	vadd.f32 v14, v20;
	v14 =	vadd.f32 v17, v20  }
0x12f: {  	s23 =	simm.s32 $0x0;
	v17 =	vadd.f32 v21, v13;
	v16 =	vadd.f32 v22, v16;
	v13 =	vld [tilespmem:s24+$0xF0];
	s24 =	simm.s32 $0x8300  }
.LBB2_10:
0x130: {  	v18 =	vld [tilespmem:s24+$0x80];
	v8 =	vadd.f32 v8, v15;
	v10 =	vadd.f32 v10, v14  }
0x131: {  	v14 =	vld [tilespmem:s24+$0x90];
	v3 =	vadd.f32 v3, v17;
	v2 =	vadd.f32 v2, v16  }
0x132: {  	v15 =	vld [tilespmem:s24+$0xA0];
	v8 =	vadd.f32 v9, v8;
	v9 =	vadd.f32 v12, v10  }
0x133: {  	v12 =	vld [tilespmem:s24+$0xB0];
	v16 =	vadd.f32 v0, v3;
	v17 =	vadd.f32 v1, v2  }
0x134: {  	v0 =	vld [tilespmem:s24+$0xC0];
	v11 =	vadd.f32 v11, v8;
	v13 =	vadd.f32 v13, v9  }
0x135: {  	v1 =	vld [tilespmem:s24+$0xD0]  }
0x136: {  	v8 =	vld [tilespmem:s24+$0x0]  }
0x137: {  	v9 =	vld [tilespmem:s24+$0x10]  }
0x138: {  	v10 =	vld [tilespmem:s24+$0x20]  }
0x139: {  	v19 =	vld [tilespmem:s24+$0x30]  }
0x13a: {  	v3 =	vld [tilespmem:s24+$0x40]  }
0x13b: {  	v2 =	vld [tilespmem:s24+$0x50]  }
0x13c: {  	v20 =	vld [tilespmem:s24+$0xFFFFFF80]  }
0x13d: {  	v21 =	vld [tilespmem:s24+$0xFFFFFF90]  }
0x13e: {  	v22 =	vld [tilespmem:s24+$0xFFFFFF00]  }
0x13f: {  	v23 =	vld [tilespmem:s24+$0xFFFFFF10]  }
0x140: {  	v24 =	vld [tilespmem:s24+$0xFFFFFF20]  }
0x141: {  	v25 =	vld [tilespmem:s24+$0xFFFFFF30]  }
0x142: {  	v26 =	vld [tilespmem:s24+$0xFFFFFFA0]  }
0x143: {  	v27 =	vld [tilespmem:s24+$0xFFFFFFB0]  }
0x144: {  	v28 =	vld [tilespmem:s24+$0xFFFFFFC0]  }
0x145: {  	v7 =	vadd.f32 v22, v7;
	v6 =	vadd.f32 v23, v6;
	v22 =	vld [tilespmem:s24+$0xFFFFFFD0]  }
0x146: {  	v5 =	vadd.f32 v24, v5;
	v4 =	vadd.f32 v25, v4;
	v23 =	vld [tilespmem:s24+$0xFFFFFF40]  }
0x147: {  	v7 =	vadd.f32 v20, v7;
	v6 =	vadd.f32 v21, v6;
	v24 =	vld [tilespmem:s24+$0xFFFFFF50]  }
0x148: {  	v5 =	vadd.f32 v26, v5;
	v20 =	vld [tilespmem:s24+$0xFFFFFF60];
	v4 =	vadd.f32 v27, v4  }
0x149: {  	s23 =	sadd.s32 $0x4, s23;
	v7 =	vadd.f32 v8, v7;
	v6 =	vadd.f32 v9, v6;
	v21 =	vld [tilespmem:s24+$0xFFFFFF70]  }
0x14a: {  	p0 =	slt.u32 s23, $0xC4;
	v5 =	vadd.f32 v10, v5;
	v8 =	vld [tilespmem:s24+$0xFFFFFFE0];
	v4 =	vadd.f32 v19, v4  }
.Ltmp4:
0x14b: {  	v7 =	vadd.f32 v18, v7;
	v6 =	vadd.f32 v14, v6;
	v10 =	vld [tilespmem:s24+$0xFFFFFFF0];
	(pc) =	sbr.rel @p0 .LBB2_10-.Ltmp4, $4  }
0x14c: {  	v5 =	vadd.f32 v15, v5;
	v9 =	vld [tilespmem:s24+$0x60];
	v4 =	vadd.f32 v12, v4  }
0x14d: {  	v16 =	vadd.f32 v23, v16;
	v18 =	vadd.f32 v24, v17;
	v12 =	vld [tilespmem:s24+$0x70]  }
0x14e: {  	v15 =	vadd.f32 v20, v11;
	v14 =	vadd.f32 v21, v13;
	v11 =	vld [tilespmem:s24+$0xE0]  }
0x14f: {  	v17 =	vadd.f32 v28, v16;
	v16 =	vadd.f32 v22, v18;
	v13 =	vld [tilespmem:s24+$0xF0];
	s24 =	sadd.s32 $0x200, s24  }
0x150: {  	_ = 	snop  }
0x151: {  	v8 =	vadd.f32 v8, v15;
	[tilespmem:$0x1EB00] =	vst v7;
	v3 =	vadd.f32 v3, v17  }
0x152: {  	v7 =	vadd.f32 v10, v14;
	[tilespmem:$0x1EB10] =	vst v6;
	v2 =	vadd.f32 v2, v16  }
0x153: {  	[tilespmem:$0x1EB20] =	vst v5;
	v6 =	vadd.f32 v9, v8;
	v0 =	vadd.f32 v0, v3  }
0x154: {  	[tilespmem:$0x1EB30] =	vst v4;
	v3 =	vadd.f32 v12, v7;
	v1 =	vadd.f32 v1, v2  }
0x155: {  	v2 =	vadd.f32 v11, v6;
	[tilespmem:$0x1EB40] =	vst v0  }
0x156: {  	v0 =	vadd.f32 v13, v3;
	[tilespmem:$0x1EB50] =	vst v1  }
0x157: {  	[tilespmem:$0x1EB60] =	vst v2  }
0x158: {  	[tilespmem:$0x1EB70] =	vst v0  }
0x159: {  	_ =	swait.ge [sflag:s19], $0x6400  }
0x15a: {  	[sflag:s19] =	ssyncset.done $0x0  }
0x15b: {  	s24 =	simm.s32 $0xE400;
	[sflag:s19] =	ssyncadd.s32 $0xFFFF9C00  }
0x15c: {  	v4 =	vld [tilespmem:s24+$0x180]  }
0x15d: {  	v5 =	vld [tilespmem:s24+$0x190]  }
0x15e: {  	v11 =	vld [tilespmem:s24+$0x1A0]  }
0x15f: {  	v12 =	vld [tilespmem:s24+$0x1B0]  }
0x160: {  	v0 =	vld [tilespmem:s24+$0x1C0]  }
0x161: {  	v1 =	vld [tilespmem:s24+$0x1D0]  }
0x162: {  	v6 =	vld [tilespmem:s24+$0x100]  }
0x163: {  	v7 =	vld [tilespmem:s24+$0x110]  }
0x164: {  	v9 =	vld [tilespmem:s24+$0x120]  }
0x165: {  	v10 =	vld [tilespmem:s24+$0x130]  }
0x166: {  	v3 =	vld [tilespmem:s24+$0x140]  }
0x167: {  	v2 =	vld [tilespmem:s24+$0x150]  }
0x168: {  	v8 =	vld [tilespmem:s24+$0x80]  }
0x169: {  	v13 =	vld [tilespmem:s24+$0x90]  }
0x16a: {  	v14 =	vld [tilespmem:s24+$0x0]  }
0x16b: {  	v15 =	vld [tilespmem:s24+$0x10]  }
0x16c: {  	v16 =	vld [tilespmem:s24+$0x20]  }
0x16d: {  	v17 =	vld [tilespmem:s24+$0x30]  }
0x16e: {  	v18 =	vld [tilespmem:s24+$0xA0]  }
0x16f: {  	v19 =	vld [tilespmem:s24+$0xB0]  }
0x170: {  	v20 =	vimm.f32 $0.0e+00;
	v21 =	vld [tilespmem:s24+$0xC0]  }
0x171: {  	v22 =	vld [tilespmem:s24+$0xD0];
	v14 =	vadd.f32 v14, v20;
	v15 =	vadd.f32 v15, v20  }
0x172: {  	v23 =	vld [tilespmem:s24+$0x40];
	v16 =	vadd.f32 v16, v20;
	v17 =	vadd.f32 v17, v20  }
0x173: {  	v24 =	vld [tilespmem:s24+$0x50];
	v8 =	vadd.f32 v8, v14;
	v13 =	vadd.f32 v13, v15  }
0x174: {  	v14 =	vld [tilespmem:s24+$0x60];
	v15 =	vadd.f32 v18, v16;
	v16 =	vadd.f32 v19, v17  }
0x175: {  	v17 =	vld [tilespmem:s24+$0x70];
	v6 =	vadd.f32 v6, v8;
	v13 =	vadd.f32 v7, v13  }
0x176: {  	v8 =	vld [tilespmem:s24+$0xE0];
	v15 =	vadd.f32 v9, v15;
	v16 =	vadd.f32 v10, v16  }
0x177: {  	v10 =	vld [tilespmem:s24+$0xF0];
	v7 =	vadd.f32 v4, v6;
	v6 =	vadd.f32 v5, v13  }
0x178: {  	v9 =	vld [tilespmem:s24+$0x160];
	v5 =	vadd.f32 v11, v15;
	v4 =	vadd.f32 v12, v16  }
0x179: {  	v13 =	vadd.f32 v23, v20;
	v16 =	vadd.f32 v24, v20;
	v12 =	vld [tilespmem:s24+$0x170]  }
0x17a: {  	v11 =	vld [tilespmem:s24+$0x1E0];
	v15 =	vadd.f32 v14, v20;
	v14 =	vadd.f32 v17, v20  }
0x17b: {  	s23 =	simm.s32 $0x0;
	v17 =	vadd.f32 v21, v13;
	v16 =	vadd.f32 v22, v16;
	v13 =	vld [tilespmem:s24+$0x1F0];
	s24 =	simm.s32 $0xE600  }
.LBB2_12:
0x17c: {  	v18 =	vld [tilespmem:s24+$0x180];
	v8 =	vadd.f32 v8, v15;
	v10 =	vadd.f32 v10, v14  }
0x17d: {  	v14 =	vld [tilespmem:s24+$0x190];
	v3 =	vadd.f32 v3, v17;
	v2 =	vadd.f32 v2, v16  }
0x17e: {  	v15 =	vld [tilespmem:s24+$0x1A0];
	v8 =	vadd.f32 v9, v8;
	v9 =	vadd.f32 v12, v10  }
0x17f: {  	v12 =	vld [tilespmem:s24+$0x1B0];
	v16 =	vadd.f32 v0, v3;
	v17 =	vadd.f32 v1, v2  }
0x180: {  	v0 =	vld [tilespmem:s24+$0x1C0];
	v11 =	vadd.f32 v11, v8;
	v13 =	vadd.f32 v13, v9  }
0x181: {  	v1 =	vld [tilespmem:s24+$0x1D0]  }
0x182: {  	v8 =	vld [tilespmem:s24+$0x100]  }
0x183: {  	v9 =	vld [tilespmem:s24+$0x110]  }
0x184: {  	v10 =	vld [tilespmem:s24+$0x120]  }
0x185: {  	v19 =	vld [tilespmem:s24+$0x130]  }
0x186: {  	v3 =	vld [tilespmem:s24+$0x140]  }
0x187: {  	v2 =	vld [tilespmem:s24+$0x150]  }
0x188: {  	v20 =	vld [tilespmem:s24+$0x80]  }
0x189: {  	v21 =	vld [tilespmem:s24+$0x90]  }
0x18a: {  	v22 =	vld [tilespmem:s24+$0x0]  }
0x18b: {  	v23 =	vld [tilespmem:s24+$0x10]  }
0x18c: {  	v24 =	vld [tilespmem:s24+$0x20]  }
0x18d: {  	v25 =	vld [tilespmem:s24+$0x30]  }
0x18e: {  	v26 =	vld [tilespmem:s24+$0xA0]  }
0x18f: {  	v27 =	vld [tilespmem:s24+$0xB0]  }
0x190: {  	v28 =	vld [tilespmem:s24+$0xC0]  }
0x191: {  	v7 =	vadd.f32 v22, v7;
	v6 =	vadd.f32 v23, v6;
	v22 =	vld [tilespmem:s24+$0xD0]  }
0x192: {  	v5 =	vadd.f32 v24, v5;
	v4 =	vadd.f32 v25, v4;
	v23 =	vld [tilespmem:s24+$0x40]  }
0x193: {  	v7 =	vadd.f32 v20, v7;
	v6 =	vadd.f32 v21, v6;
	v24 =	vld [tilespmem:s24+$0x50]  }
0x194: {  	v5 =	vadd.f32 v26, v5;
	v20 =	vld [tilespmem:s24+$0x60];
	v4 =	vadd.f32 v27, v4  }
0x195: {  	s23 =	sadd.s32 $0x4, s23;
	v7 =	vadd.f32 v8, v7;
	v6 =	vadd.f32 v9, v6;
	v21 =	vld [tilespmem:s24+$0x70]  }
0x196: {  	p0 =	slt.u32 s23, $0xC4;
	v5 =	vadd.f32 v10, v5;
	v8 =	vld [tilespmem:s24+$0xE0];
	v4 =	vadd.f32 v19, v4  }
.Ltmp5:
0x197: {  	v7 =	vadd.f32 v18, v7;
	v6 =	vadd.f32 v14, v6;
	v10 =	vld [tilespmem:s24+$0xF0];
	(pc) =	sbr.rel @p0 .LBB2_12-.Ltmp5, $4  }
0x198: {  	v5 =	vadd.f32 v15, v5;
	v9 =	vld [tilespmem:s24+$0x160];
	v4 =	vadd.f32 v12, v4  }
0x199: {  	v16 =	vadd.f32 v23, v16;
	v18 =	vadd.f32 v24, v17;
	v12 =	vld [tilespmem:s24+$0x170]  }
0x19a: {  	v15 =	vadd.f32 v20, v11;
	v14 =	vadd.f32 v21, v13;
	v11 =	vld [tilespmem:s24+$0x1E0]  }
0x19b: {  	v17 =	vadd.f32 v28, v16;
	v16 =	vadd.f32 v22, v18;
	v13 =	vld [tilespmem:s24+$0x1F0];
	s24 =	sadd.s32 $0x200, s24  }
0x19c: {  	_ = 	snop  }
0x19d: {  	v8 =	vadd.f32 v8, v15;
	[tilespmem:$0x1EB80] =	vst v7;
	v3 =	vadd.f32 v3, v17  }
0x19e: {  	v59 =	vadd.f32 v10, v14;
	[tilespmem:$0x1EB90] =	vst v6;
	v2 =	vadd.f32 v2, v16  }
0x19f: {  	[tilespmem:$0x1EBA0] =	vst v5;
	v60 =	vadd.f32 v9, v8;
	v0 =	vadd.f32 v0, v3  }
0x1a0: {  	[tilespmem:$0x1EBB0] =	vst v4;
	v61 =	vadd.f32 v12, v59;
	v1 =	vadd.f32 v1, v2  }
0x1a1: {  	v62 =	vadd.f32 v11, v60;
	[tilespmem:$0x1EBC0] =	vst v0  }
0x1a2: {  	s22 =	sadd.s32 $0x1, s22;
	v63 =	vadd.f32 v13, v61;
	[tilespmem:$0x1EBD0] =	vst v1  }
0x1a3: {  	p0 =	sne.s32 s22, s6;
	[tilespmem:$0x1EBE0] =	vst v62  }
.Ltmp6:
0x1a4: {  	[tilespmem:$0x1EBF0] =	vst v63;
	(pc) =	sbr.rel @p0 .LBB2_1-.Ltmp6, $4  }
0x1a5: {  	[hbm4b:s5+s3] =	stream.linear.scatter [tilespmem:s21], [sflag:$0x4], $0x4000, $0x38;
	[tilespmem:$0x1EC00] =	vst v63  }
0x1a6: {  	_ =	swait.ge [sflag:s7], $0x4000  }
0x1a7: {  	[sflag:s7] =	ssyncset.done $0x0  }
0x1a8: {  	[sflag:s7] =	ssyncadd.s32 $0xFFFFC000  }
0x1a9: {  	_ =	sfence.sel $0x180000  }
0x1aa: {  	[bflag:$0x0] =	sbarrier.arrive $0xFFFF  }
0x1ab: {  	p0 =	sne.s32 s0, $0x0;
	_ =	strace $0x90000047  }
0x1ac: {  	s0 =	sadd.s32 @!p0 $0x100000, s1;
	[bflag:$0x2] =	sbarrier.arrive $0xFFFF  }
0x1ad: {  	[sflag:s0] =	ssyncadd.tile.s32 @!p0 $0x1;
	_ =	shalt  }
.Lfunc_end2:
_tile_overlayer_lowered:
.L_overlay_start_2:
0x1ae: {  	(tag) =	ssettag $0x2  }
0x1af: {  	s0 =	rddreg [dreg:$0x0];
	s2 =	stileid.u32  }
0x1b0: {  	s1 =	rddreg [dreg:$0x1];
	p0 =	sne.s32 s2, $0x0  }
0x1b1: {  	s3 =	rddreg [dreg:$0x2];
	[bflag:$0x3] =	sbarrier.arrive $0xFFFF;
	s2 =	simm.s32 @!p0 $0x1C04  }
0x1b2: {  	[timem:s3], [sflag:s2] =	dma.local @!p0 [hbm:s0], s1  }
0x1b3: {  	s0 =	simm.s32 @!p0 $0x4  }
0x1b4: {  	_ =	swait.ge @!p0 [sflag:s0], s1  }
0x1b5: {  	s1 =	ssub.s32 @!p0 $0x0, s1;
	[sflag:s0] =	ssyncset.done @!p0 $0x0  }
0x1b6: {  	[sflag:s0] =	ssyncadd.s32 @!p0 s1  }
0x1b7: {  	[bflag:$0x3] =	sbarrier.arrive $0xFFFF  }
0x1b8: {  	_ =	shalt  }

</sc_bundles>
